<compile_context>
chip_gen: v7x
topology: tpu7x:2x2x1
jax: 0.10.2.dev20260603
libtpu: 0.0.44.dev20260713+nightly
codegen_flags: <defaults>
</compile_context>

<pallas_src>
import functools

import jax
import jax.numpy as jnp
from jax import lax
from jax.experimental import pallas as pl
from jax.experimental.pallas import tpu as pltpu
from jax.experimental.pallas import tpu_sc as plsc

CYCLE = 168
LEN = 336
CHAN = 128
BATCH = 1024

_NC = 2
_NS = 16
_NW = _NC * _NS
_BPW = BATCH // _NW

_mesh = plsc.VectorSubcoreMesh(core_axis_name="c", subcore_axis_name="s")


@functools.partial(
    pl.kernel,
    out_type=jax.ShapeDtypeStruct((BATCH, LEN, CHAN), jnp.float32),
    mesh=_mesh,
    scratch_types=[
        pltpu.VMEM((3 * CYCLE, CHAN), jnp.float32),
        pltpu.VMEM((_BPW,), jnp.int32),
        pltpu.VMEM_SHARED((3 * CYCLE, CHAN), jnp.float32),
        pltpu.SemaphoreType.DMA,
    ],
)
def _recurrent_sc(idx_hbm, data_hbm, out_hbm, ddd_v, idx_v, ddd_sh, sem):
    c = lax.axis_index("c")
    s = lax.axis_index("s")
    wid = s * _NC + c
    base = wid * _BPW

    stage = [
        pltpu.async_copy(data_hbm, ddd_v.at[pl.ds(0, CYCLE)], sem),
        pltpu.async_copy(data_hbm, ddd_v.at[pl.ds(CYCLE, CYCLE)], sem),
        pltpu.async_copy(data_hbm, ddd_v.at[pl.ds(2 * CYCLE, CYCLE)], sem),
        pltpu.async_copy(idx_hbm.at[pl.ds(base, _BPW)], idx_v, sem),
    ]

    @pl.when(s == 0)
    def _():
        pltpu.sync_copy(data_hbm, ddd_sh.at[pl.ds(0, CYCLE)])
        pltpu.sync_copy(data_hbm, ddd_sh.at[pl.ds(CYCLE, CYCLE)])
        pltpu.sync_copy(data_hbm, ddd_sh.at[pl.ds(2 * CYCLE, CYCLE)])

    plsc.subcore_barrier()
    for h in stage:
        h.wait()

    handles = []
    for g in range(_BPW // 16):
        vec = idx_v[pl.ds(g * 16, 16)]
        for lane in range(16):
            start = vec[lane]
            b = base + g * 16 + lane
            src = ddd_v if (g * 16 + lane) % 8 < 5 else ddd_sh
            handles.append(
                pltpu.async_copy(src.at[pl.ds(start, LEN)], out_hbm.at[b], sem)
            )
    for h in handles:
        h.wait()


def kernel(index, length, data):
    del length
    return _recurrent_sc(index.astype(jnp.int32), data)

# --- scband reference (transcript-rebuilt; emitter-appended) ---
"""Pipeline reference for scband-recurrent-pattern-89137751262014 (READ-ONLY COPY).

The authoritative reference and input builder live on the scoring server;
editing this copy changes nothing except your own understanding.
"""

import jax, jax.numpy as jnp
import numpy as np

CYCLE_LEN = 168
CHANNEL = 128
BATCH = 1024
LENGTH = 336


def setup_inputs(seed: int = 0) -> dict:
    key = jax.random.key(seed)
    k_idx, k_data = jax.random.split(key)
    index = jax.random.randint(k_idx, (BATCH,), 0, CYCLE_LEN, dtype=jnp.int64 if jax.config.jax_enable_x64 else jnp.int32)
    data = jax.random.normal(k_data, (CYCLE_LEN, CHANNEL), dtype=jnp.float32)
    return {"index": index, "length": LENGTH, "data": data}


def reference(index, length, data):
    # gather_index = (index.view(-1,1) + arange(length).view(1,-1)) % cycle_len
    cycle_len = data.shape[0]
    offsets = jnp.arange(LENGTH, dtype=index.dtype) + (jnp.asarray(length, dtype=index.dtype) - jnp.asarray(LENGTH, dtype=index.dtype))
    gather_index = (index.reshape(-1, 1) + offsets.reshape(1, -1)) % cycle_len
    # self.data[gather_index.long()] -> gather rows of the cyclic parameter table
    return jnp.take(data, gather_index, axis=0)

if __name__ == "__main__":
    import jax
    _d = setup_inputs()
    print(jax.jit(kernel)(*tuple(_d.values())))

</pallas_src>

<mosaic_0001>
#map = affine_map<(d0, d1) -> (0)>
#map1 = affine_map<(d0, d1) -> (0, 0)>
#map2 = affine_map<(d0, d1) -> (0, 0, 0)>
module attributes {stable_mosaic.version = 14 : i64} {
  func.func @_recurrent_sc(%arg0: i32, %arg1: i32, %arg2: memref<1024xi32, #tpu.memory_space<hbm>>, %arg3: memref<168x128xf32, #tpu.memory_space<hbm>>, %arg4: memref<1024x336x128xf32, #tpu.memory_space<hbm>>, %arg5: memref<504x128xf32, #tpu.memory_space<vmem>>, %arg6: memref<32xi32, #tpu.memory_space<vmem>>, %arg7: memref<504x128xf32, #tpu.memory_space<vmem_shared>>, %arg8: memref<!tpu.dma_semaphore, #tpu.memory_space<semaphore_mem>>) attributes {dimension_semantics = [#tpu.dimension_semantics<core_parallel>, #tpu.dimension_semantics<subcore_parallel>], iteration_bounds = array<i64: 2, 16>, scalar_prefetch = 0 : i64, scratch_operands = 4 : i64, tpu.core_type = #tpu.core_type<sc_vector_subcore>, window_params = [{transform_indices = #map}, {transform_indices = #map1}, {transform_indices = #map2}]} {
    %mul3A = arith.constant 2 : i32
    %mul3A_0 = arith.muli %arg1, %mul3A : i32
    %add3A = arith.addi %mul3A_0, %arg0 : i32
    %mul3A_1 = arith.constant 32 : i32
    %mul3A_2 = arith.muli %add3A, %mul3A_1 : i32
    %dma_start3A = arith.constant 0 : i32
    %dma_start3A_3 = arith.constant 0 : i32
    %dma_start3A_4 = tpu.memref_slice %arg5[%dma_start3A, %dma_start3A_3] : memref<504x128xf32, #tpu.memory_space<vmem>> -> memref<168x128xf32, #tpu.memory_space<vmem>>
    %dma_start3A_5 = arith.constant 0 : i32
    %dma_start3A_6 = arith.constant 0 : i32
    %dma_start3A_7 = tpu.memref_slice %arg5[%dma_start3A_5, %dma_start3A_6] : memref<504x128xf32, #tpu.memory_space<vmem>> -> memref<168x128xf32, #tpu.memory_space<vmem>>
    tpu.enqueue_dma source(%arg3 : memref<168x128xf32, #tpu.memory_space<hbm>>) target(%dma_start3A_7 : memref<168x128xf32, #tpu.memory_space<vmem>>) target_semaphore(%arg8 : memref<!tpu.dma_semaphore, #tpu.memory_space<semaphore_mem>>)
    %dma_start3A_8 = arith.constant 168 : i32
    %dma_start3A_9 = arith.constant 0 : i32
    %dma_start3A_10 = tpu.memref_slice %arg5[%dma_start3A_8, %dma_start3A_9] : memref<504x128xf32, #tpu.memory_space<vmem>> -> memref<168x128xf32, #tpu.memory_space<vmem>>
    %dma_start3A_11 = arith.constant 168 : i32
    %dma_start3A_12 = arith.constant 0 : i32
    %dma_start3A_13 = tpu.memref_slice %arg5[%dma_start3A_11, %dma_start3A_12] : memref<504x128xf32, #tpu.memory_space<vmem>> -> memref<168x128xf32, #tpu.memory_space<vmem>>
    tpu.enqueue_dma source(%arg3 : memref<168x128xf32, #tpu.memory_space<hbm>>) target(%dma_start3A_13 : memref<168x128xf32, #tpu.memory_space<vmem>>) target_semaphore(%arg8 : memref<!tpu.dma_semaphore, #tpu.memory_space<semaphore_mem>>)
    %dma_start3A_14 = arith.constant 336 : i32
    %dma_start3A_15 = arith.constant 0 : i32
    %dma_start3A_16 = tpu.memref_slice %arg5[%dma_start3A_14, %dma_start3A_15] : memref<504x128xf32, #tpu.memory_space<vmem>> -> memref<168x128xf32, #tpu.memory_space<vmem>>
    %dma_start3A_17 = arith.constant 336 : i32
    %dma_start3A_18 = arith.constant 0 : i32
    %dma_start3A_19 = tpu.memref_slice %arg5[%dma_start3A_17, %dma_start3A_18] : memref<504x128xf32, #tpu.memory_space<vmem>> -> memref<168x128xf32, #tpu.memory_space<vmem>>
    tpu.enqueue_dma source(%arg3 : memref<168x128xf32, #tpu.memory_space<hbm>>) target(%dma_start3A_19 : memref<168x128xf32, #tpu.memory_space<vmem>>) target_semaphore(%arg8 : memref<!tpu.dma_semaphore, #tpu.memory_space<semaphore_mem>>)
    %dma_start3A_20 = tpu.memref_slice %arg2[%mul3A_2] : memref<1024xi32, #tpu.memory_space<hbm>> -> memref<32xi32, #tpu.memory_space<hbm>>
    %dma_start3A_21 = tpu.memref_slice %arg2[%mul3A_2] : memref<1024xi32, #tpu.memory_space<hbm>> -> memref<32xi32, #tpu.memory_space<hbm>>
    tpu.enqueue_dma source(%dma_start3A_21 : memref<32xi32, #tpu.memory_space<hbm>>) target(%arg6 : memref<32xi32, #tpu.memory_space<vmem>>) target_semaphore(%arg8 : memref<!tpu.dma_semaphore, #tpu.memory_space<semaphore_mem>>)
    %eq3A = arith.constant 0 : i32
    %eq3A_22 = arith.cmpi eq, %arg1, %eq3A : i32
    %convert_element_type3A = arith.extui %eq3A_22 : i1 to i32
    %cond3A = arith.constant 0 : i32
    %cond3A_23 = arith.cmpi ne, %convert_element_type3A, %cond3A : i32
    scf.if %cond3A_23 {
      "tpu.region"() ({
        %run_scoped3A = tpu.sem_alloc : memref<!tpu.dma_semaphore, #tpu.memory_space<semaphore_mem>>
        %dma_start3A_862 = arith.constant 0 : i32
        %dma_start3A_863 = arith.constant 0 : i32
        %dma_start3A_864 = tpu.memref_slice %arg7[%dma_start3A_862, %dma_start3A_863] : memref<504x128xf32, #tpu.memory_space<vmem_shared>> -> memref<168x128xf32, #tpu.memory_space<vmem_shared>>
        tpu.enqueue_dma source(%arg3 : memref<168x128xf32, #tpu.memory_space<hbm>>) target(%dma_start3A_864 : memref<168x128xf32, #tpu.memory_space<vmem_shared>>) target_semaphore(%run_scoped3A : memref<!tpu.dma_semaphore, #tpu.memory_space<semaphore_mem>>)
        %dma_wait3A_865 = arith.constant 0 : i32
        %dma_wait3A_866 = arith.constant 0 : i32
        %dma_wait3A_867 = tpu.memref_slice %arg7[%dma_wait3A_865, %dma_wait3A_866] : memref<504x128xf32, #tpu.memory_space<vmem_shared>> -> memref<168x128xf32, #tpu.memory_space<vmem_shared>>
        tpu.wait_dma2 semaphore(%run_scoped3A : memref<!tpu.dma_semaphore, #tpu.memory_space<semaphore_mem>>) src(%arg3 : memref<168x128xf32, #tpu.memory_space<hbm>>) dst(%dma_wait3A_867 : memref<168x128xf32, #tpu.memory_space<vmem_shared>>)
        tpu.yield
      }) : () -> ()
      "tpu.region"() ({
        %run_scoped3A = tpu.sem_alloc : memref<!tpu.dma_semaphore, #tpu.memory_space<semaphore_mem>>
        %dma_start3A_862 = arith.constant 168 : i32
        %dma_start3A_863 = arith.constant 0 : i32
        %dma_start3A_864 = tpu.memref_slice %arg7[%dma_start3A_862, %dma_start3A_863] : memref<504x128xf32, #tpu.memory_space<vmem_shared>> -> memref<168x128xf32, #tpu.memory_space<vmem_shared>>
        tpu.enqueue_dma source(%arg3 : memref<168x128xf32, #tpu.memory_space<hbm>>) target(%dma_start3A_864 : memref<168x128xf32, #tpu.memory_space<vmem_shared>>) target_semaphore(%run_scoped3A : memref<!tpu.dma_semaphore, #tpu.memory_space<semaphore_mem>>)
        %dma_wait3A_865 = arith.constant 168 : i32
        %dma_wait3A_866 = arith.constant 0 : i32
        %dma_wait3A_867 = tpu.memref_slice %arg7[%dma_wait3A_865, %dma_wait3A_866] : memref<504x128xf32, #tpu.memory_space<vmem_shared>> -> memref<168x128xf32, #tpu.memory_space<vmem_shared>>
        tpu.wait_dma2 semaphore(%run_scoped3A : memref<!tpu.dma_semaphore, #tpu.memory_space<semaphore_mem>>) src(%arg3 : memref<168x128xf32, #tpu.memory_space<hbm>>) dst(%dma_wait3A_867 : memref<168x128xf32, #tpu.memory_space<vmem_shared>>)
        tpu.yield
      }) : () -> ()
      "tpu.region"() ({
        %run_scoped3A = tpu.sem_alloc : memref<!tpu.dma_semaphore, #tpu.memory_space<semaphore_mem>>
        %dma_start3A_862 = arith.constant 336 : i32
        %dma_start3A_863 = arith.constant 0 : i32
        %dma_start3A_864 = tpu.memref_slice %arg7[%dma_start3A_862, %dma_start3A_863] : memref<504x128xf32, #tpu.memory_space<vmem_shared>> -> memref<168x128xf32, #tpu.memory_space<vmem_shared>>
        tpu.enqueue_dma source(%arg3 : memref<168x128xf32, #tpu.memory_space<hbm>>) target(%dma_start3A_864 : memref<168x128xf32, #tpu.memory_space<vmem_shared>>) target_semaphore(%run_scoped3A : memref<!tpu.dma_semaphore, #tpu.memory_space<semaphore_mem>>)
        %dma_wait3A_865 = arith.constant 336 : i32
        %dma_wait3A_866 = arith.constant 0 : i32
        %dma_wait3A_867 = tpu.memref_slice %arg7[%dma_wait3A_865, %dma_wait3A_866] : memref<504x128xf32, #tpu.memory_space<vmem_shared>> -> memref<168x128xf32, #tpu.memory_space<vmem_shared>>
        tpu.wait_dma2 semaphore(%run_scoped3A : memref<!tpu.dma_semaphore, #tpu.memory_space<semaphore_mem>>) src(%arg3 : memref<168x128xf32, #tpu.memory_space<hbm>>) dst(%dma_wait3A_867 : memref<168x128xf32, #tpu.memory_space<vmem_shared>>)
        tpu.yield
      }) : () -> ()
    } else {
    }
    %barrier3A = arith.constant 0 : index
    tpu.barrier barrier_id(%barrier3A)
    %dma_wait3A = arith.constant 0 : i32
    %dma_wait3A_24 = arith.constant 0 : i32
    %dma_wait3A_25 = tpu.memref_slice %arg5[%dma_wait3A, %dma_wait3A_24] : memref<504x128xf32, #tpu.memory_space<vmem>> -> memref<168x128xf32, #tpu.memory_space<vmem>>
    %dma_wait3A_26 = arith.constant 0 : i32
    %dma_wait3A_27 = arith.constant 0 : i32
    %dma_wait3A_28 = tpu.memref_slice %arg5[%dma_wait3A_26, %dma_wait3A_27] : memref<504x128xf32, #tpu.memory_space<vmem>> -> memref<168x128xf32, #tpu.memory_space<vmem>>
    tpu.wait_dma2 semaphore(%arg8 : memref<!tpu.dma_semaphore, #tpu.memory_space<semaphore_mem>>) src(%arg3 : memref<168x128xf32, #tpu.memory_space<hbm>>) dst(%dma_wait3A_28 : memref<168x128xf32, #tpu.memory_space<vmem>>)
    %dma_wait3A_29 = arith.constant 168 : i32
    %dma_wait3A_30 = arith.constant 0 : i32
    %dma_wait3A_31 = tpu.memref_slice %arg5[%dma_wait3A_29, %dma_wait3A_30] : memref<504x128xf32, #tpu.memory_space<vmem>> -> memref<168x128xf32, #tpu.memory_space<vmem>>
    %dma_wait3A_32 = arith.constant 168 : i32
    %dma_wait3A_33 = arith.constant 0 : i32
    %dma_wait3A_34 = tpu.memref_slice %arg5[%dma_wait3A_32, %dma_wait3A_33] : memref<504x128xf32, #tpu.memory_space<vmem>> -> memref<168x128xf32, #tpu.memory_space<vmem>>
    tpu.wait_dma2 semaphore(%arg8 : memref<!tpu.dma_semaphore, #tpu.memory_space<semaphore_mem>>) src(%arg3 : memref<168x128xf32, #tpu.memory_space<hbm>>) dst(%dma_wait3A_34 : memref<168x128xf32, #tpu.memory_space<vmem>>)
    %dma_wait3A_35 = arith.constant 336 : i32
    %dma_wait3A_36 = arith.constant 0 : i32
    %dma_wait3A_37 = tpu.memref_slice %arg5[%dma_wait3A_35, %dma_wait3A_36] : memref<504x128xf32, #tpu.memory_space<vmem>> -> memref<168x128xf32, #tpu.memory_space<vmem>>
    %dma_wait3A_38 = arith.constant 336 : i32
    %dma_wait3A_39 = arith.constant 0 : i32
    %dma_wait3A_40 = tpu.memref_slice %arg5[%dma_wait3A_38, %dma_wait3A_39] : memref<504x128xf32, #tpu.memory_space<vmem>> -> memref<168x128xf32, #tpu.memory_space<vmem>>
    tpu.wait_dma2 semaphore(%arg8 : memref<!tpu.dma_semaphore, #tpu.memory_space<semaphore_mem>>) src(%arg3 : memref<168x128xf32, #tpu.memory_space<hbm>>) dst(%dma_wait3A_40 : memref<168x128xf32, #tpu.memory_space<vmem>>)
    %dma_wait3A_41 = tpu.memref_slice %arg2[%mul3A_2] : memref<1024xi32, #tpu.memory_space<hbm>> -> memref<32xi32, #tpu.memory_space<hbm>>
    %dma_wait3A_42 = tpu.memref_slice %arg2[%mul3A_2] : memref<1024xi32, #tpu.memory_space<hbm>> -> memref<32xi32, #tpu.memory_space<hbm>>
    tpu.wait_dma2 semaphore(%arg8 : memref<!tpu.dma_semaphore, #tpu.memory_space<semaphore_mem>>) src(%dma_wait3A_42 : memref<32xi32, #tpu.memory_space<hbm>>) dst(%arg6 : memref<32xi32, #tpu.memory_space<vmem>>)
    %get3A = arith.constant 0 : index
    %get3A_43 = tpu.vector_load %arg6[%get3A] {strides = array<i32>} : memref<32xi32, #tpu.memory_space<vmem>>, vector<16xi32>,
    %get3A_44 = vector.shape_cast %get3A_43 : vector<16xi32> to vector<16xi32>
    %slice3A = vector.extract_strided_slice %get3A_44 {offsets = [0], sizes = [1], strides = [1]} : vector<16xi32> to vector<1xi32>
    %squeeze3A = vector.extract %slice3A[0] : i32 from vector<1xi32>
    %add3A_45 = arith.constant 0 : i32
    %add3A_46 = arith.addi %mul3A_2, %add3A_45 : i32
    %add3A_47 = arith.constant 0 : i32
    %add3A_48 = arith.addi %add3A_46, %add3A_47 : i32
    %dma_start3A_49 = arith.constant 0 : i32
    %dma_start3A_50 = tpu.memref_slice %arg5[%squeeze3A, %dma_start3A_49] : memref<504x128xf32, #tpu.memory_space<vmem>> -> memref<336x128xf32, #tpu.memory_space<vmem>>
    %dma_start3A_51 = arith.constant 0 : i32
    %dma_start3A_52 = arith.constant 0 : i32
    %dma_start3A_53 = tpu.memref_slice %arg4[%add3A_48, %dma_start3A_51, %dma_start3A_52] : memref<1024x336x128xf32, #tpu.memory_space<hbm>> -> memref<1x336x128xf32, #tpu.memory_space<hbm>>
    %dma_start3A_54 = tpu.memref_squeeze %dma_start3A_53 : memref<1x336x128xf32, #tpu.memory_space<hbm>> -> memref<336x128xf32, #tpu.memory_space<hbm>>
    %dma_start3A_55 = arith.constant 0 : i32
    %dma_start3A_56 = arith.constant 0 : i32
    %dma_start3A_57 = tpu.memref_slice %arg4[%add3A_48, %dma_start3A_55, %dma_start3A_56] : memref<1024x336x128xf32, #tpu.memory_space<hbm>> -> memref<1x336x128xf32, #tpu.memory_space<hbm>>
    %dma_start3A_58 = tpu.memref_squeeze %dma_start3A_57 : memref<1x336x128xf32, #tpu.memory_space<hbm>> -> memref<336x128xf32, #tpu.memory_space<hbm>>
    %dma_start3A_59 = arith.constant 0 : i32
    %dma_start3A_60 = tpu.memref_slice %arg5[%squeeze3A, %dma_start3A_59] : memref<504x128xf32, #tpu.memory_space<vmem>> -> memref<336x128xf32, #tpu.memory_space<vmem>>
    tpu.enqueue_dma source(%dma_start3A_60 : memref<336x128xf32, #tpu.memory_space<vmem>>) target(%dma_start3A_58 : memref<336x128xf32, #tpu.memory_space<hbm>>) target_semaphore(%arg8 : memref<!tpu.dma_semaphore, #tpu.memory_space<semaphore_mem>>)
    %slice3A_61 = vector.extract_strided_slice %get3A_44 {offsets = [1], sizes = [1], strides = [1]} : vector<16xi32> to vector<1xi32>
    %squeeze3A_62 = vector.extract %slice3A_61[0] : i32 from vector<1xi32>
    %add3A_63 = arith.constant 0 : i32
    %add3A_64 = arith.addi %mul3A_2, %add3A_63 : i32
    %add3A_65 = arith.constant 1 : i32
    %add3A_66 = arith.addi %add3A_64, %add3A_65 : i32
    %dma_start3A_67 = arith.constant 0 : i32
    %dma_start3A_68 = tpu.memref_slice %arg5[%squeeze3A_62, %dma_start3A_67] : memref<504x128xf32, #tpu.memory_space<vmem>> -> memref<336x128xf32, #tpu.memory_space<vmem>>
    %dma_start3A_69 = arith.constant 0 : i32
    %dma_start3A_70 = arith.constant 0 : i32
    %dma_start3A_71 = tpu.memref_slice %arg4[%add3A_66, %dma_start3A_69, %dma_start3A_70] : memref<1024x336x128xf32, #tpu.memory_space<hbm>> -> memref<1x336x128xf32, #tpu.memory_space<hbm>>
    %dma_start3A_72 = tpu.memref_squeeze %dma_start3A_71 : memref<1x336x128xf32, #tpu.memory_space<hbm>> -> memref<336x128xf32, #tpu.memory_space<hbm>>
    %dma_start3A_73 = arith.constant 0 : i32
    %dma_start3A_74 = arith.constant 0 : i32
    %dma_start3A_75 = tpu.memref_slice %arg4[%add3A_66, %dma_start3A_73, %dma_start3A_74] : memref<1024x336x128xf32, #tpu.memory_space<hbm>> -> memref<1x336x128xf32, #tpu.memory_space<hbm>>
    %dma_start3A_76 = tpu.memref_squeeze %dma_start3A_75 : memref<1x336x128xf32, #tpu.memory_space<hbm>> -> memref<336x128xf32, #tpu.memory_space<hbm>>
    %dma_start3A_77 = arith.constant 0 : i32
    %dma_start3A_78 = tpu.memref_slice %arg5[%squeeze3A_62, %dma_start3A_77] : memref<504x128xf32, #tpu.memory_space<vmem>> -> memref<336x128xf32, #tpu.memory_space<vmem>>
    tpu.enqueue_dma source(%dma_start3A_78 : memref<336x128xf32, #tpu.memory_space<vmem>>) target(%dma_start3A_76 : memref<336x128xf32, #tpu.memory_space<hbm>>) target_semaphore(%arg8 : memref<!tpu.dma_semaphore, #tpu.memory_space<semaphore_mem>>)
    %slice3A_79 = vector.extract_strided_slice %get3A_44 {offsets = [2], sizes = [1], strides = [1]} : vector<16xi32> to vector<1xi32>
    %squeeze3A_80 = vector.extract %slice3A_79[0] : i32 from vector<1xi32>
    %add3A_81 = arith.constant 0 : i32
    %add3A_82 = arith.addi %mul3A_2, %add3A_81 : i32
    %add3A_83 = arith.constant 2 : i32
    %add3A_84 = arith.addi %add3A_82, %add3A_83 : i32
    %dma_start3A_85 = arith.constant 0 : i32
    %dma_start3A_86 = tpu.memref_slice %arg5[%squeeze3A_80, %dma_start3A_85] : memref<504x128xf32, #tpu.memory_space<vmem>> -> memref<336x128xf32, #tpu.memory_space<vmem>>
    %dma_start3A_87 = arith.constant 0 : i32
    %dma_start3A_88 = arith.constant 0 : i32
    %dma_start3A_89 = tpu.memref_slice %arg4[%add3A_84, %dma_start3A_87, %dma_start3A_88] : memref<1024x336x128xf32, #tpu.memory_space<hbm>> -> memref<1x336x128xf32, #tpu.memory_space<hbm>>
    %dma_start3A_90 = tpu.memref_squeeze %dma_start3A_89 : memref<1x336x128xf32, #tpu.memory_space<hbm>> -> memref<336x128xf32, #tpu.memory_space<hbm>>
    %dma_start3A_91 = arith.constant 0 : i32
    %dma_start3A_92 = arith.constant 0 : i32
    %dma_start3A_93 = tpu.memref_slice %arg4[%add3A_84, %dma_start3A_91, %dma_start3A_92] : memref<1024x336x128xf32, #tpu.memory_space<hbm>> -> memref<1x336x128xf32, #tpu.memory_space<hbm>>
    %dma_start3A_94 = tpu.memref_squeeze %dma_start3A_93 : memref<1x336x128xf32, #tpu.memory_space<hbm>> -> memref<336x128xf32, #tpu.memory_space<hbm>>
    %dma_start3A_95 = arith.constant 0 : i32
    %dma_start3A_96 = tpu.memref_slice %arg5[%squeeze3A_80, %dma_start3A_95] : memref<504x128xf32, #tpu.memory_space<vmem>> -> memref<336x128xf32, #tpu.memory_space<vmem>>
    tpu.enqueue_dma source(%dma_start3A_96 : memref<336x128xf32, #tpu.memory_space<vmem>>) target(%dma_start3A_94 : memref<336x128xf32, #tpu.memory_space<hbm>>) target_semaphore(%arg8 : memref<!tpu.dma_semaphore, #tpu.memory_space<semaphore_mem>>)
    %slice3A_97 = vector.extract_strided_slice %get3A_44 {offsets = [3], sizes = [1], strides = [1]} : vector<16xi32> to vector<1xi32>
    %squeeze3A_98 = vector.extract %slice3A_97[0] : i32 from vector<1xi32>
    %add3A_99 = arith.constant 0 : i32
    %add3A_100 = arith.addi %mul3A_2, %add3A_99 : i32
    %add3A_101 = arith.constant 3 : i32
    %add3A_102 = arith.addi %add3A_100, %add3A_101 : i32
    %dma_start3A_103 = arith.constant 0 : i32
    %dma_start3A_104 = tpu.memref_slice %arg5[%squeeze3A_98, %dma_start3A_103] : memref<504x128xf32, #tpu.memory_space<vmem>> -> memref<336x128xf32, #tpu.memory_space<vmem>>
    %dma_start3A_105 = arith.constant 0 : i32
    %dma_start3A_106 = arith.constant 0 : i32
    %dma_start3A_107 = tpu.memref_slice %arg4[%add3A_102, %dma_start3A_105, %dma_start3A_106] : memref<1024x336x128xf32, #tpu.memory_space<hbm>> -> memref<1x336x128xf32, #tpu.memory_space<hbm>>
    %dma_start3A_108 = tpu.memref_squeeze %dma_start3A_107 : memref<1x336x128xf32, #tpu.memory_space<hbm>> -> memref<336x128xf32, #tpu.memory_space<hbm>>
    %dma_start3A_109 = arith.constant 0 : i32
    %dma_start3A_110 = arith.constant 0 : i32
    %dma_start3A_111 = tpu.memref_slice %arg4[%add3A_102, %dma_start3A_109, %dma_start3A_110] : memref<1024x336x128xf32, #tpu.memory_space<hbm>> -> memref<1x336x128xf32, #tpu.memory_space<hbm>>
    %dma_start3A_112 = tpu.memref_squeeze %dma_start3A_111 : memref<1x336x128xf32, #tpu.memory_space<hbm>> -> memref<336x128xf32, #tpu.memory_space<hbm>>
    %dma_start3A_113 = arith.constant 0 : i32
    %dma_start3A_114 = tpu.memref_slice %arg5[%squeeze3A_98, %dma_start3A_113] : memref<504x128xf32, #tpu.memory_space<vmem>> -> memref<336x128xf32, #tpu.memory_space<vmem>>
    tpu.enqueue_dma source(%dma_start3A_114 : memref<336x128xf32, #tpu.memory_space<vmem>>) target(%dma_start3A_112 : memref<336x128xf32, #tpu.memory_space<hbm>>) target_semaphore(%arg8 : memref<!tpu.dma_semaphore, #tpu.memory_space<semaphore_mem>>)
    %slice3A_115 = vector.extract_strided_slice %get3A_44 {offsets = [4], sizes = [1], strides = [1]} : vector<16xi32> to vector<1xi32>
    %squeeze3A_116 = vector.extract %slice3A_115[0] : i32 from vector<1xi32>
    %add3A_117 = arith.constant 0 : i32
    %add3A_118 = arith.addi %mul3A_2, %add3A_117 : i32
    %add3A_119 = arith.constant 4 : i32
    %add3A_120 = arith.addi %add3A_118, %add3A_119 : i32
    %dma_start3A_121 = arith.constant 0 : i32
    %dma_start3A_122 = tpu.memref_slice %arg5[%squeeze3A_116, %dma_start3A_121] : memref<504x128xf32, #tpu.memory_space<vmem>> -> memref<336x128xf32, #tpu.memory_space<vmem>>
    %dma_start3A_123 = arith.constant 0 : i32
    %dma_start3A_124 = arith.constant 0 : i32
    %dma_start3A_125 = tpu.memref_slice %arg4[%add3A_120, %dma_start3A_123, %dma_start3A_124] : memref<1024x336x128xf32, #tpu.memory_space<hbm>> -> memref<1x336x128xf32, #tpu.memory_space<hbm>>
    %dma_start3A_126 = tpu.memref_squeeze %dma_start3A_125 : memref<1x336x128xf32, #tpu.memory_space<hbm>> -> memref<336x128xf32, #tpu.memory_space<hbm>>
    %dma_start3A_127 = arith.constant 0 : i32
    %dma_start3A_128 = arith.constant 0 : i32
    %dma_start3A_129 = tpu.memref_slice %arg4[%add3A_120, %dma_start3A_127, %dma_start3A_128] : memref<1024x336x128xf32, #tpu.memory_space<hbm>> -> memref<1x336x128xf32, #tpu.memory_space<hbm>>
    %dma_start3A_130 = tpu.memref_squeeze %dma_start3A_129 : memref<1x336x128xf32, #tpu.memory_space<hbm>> -> memref<336x128xf32, #tpu.memory_space<hbm>>
    %dma_start3A_131 = arith.constant 0 : i32
    %dma_start3A_132 = tpu.memref_slice %arg5[%squeeze3A_116, %dma_start3A_131] : memref<504x128xf32, #tpu.memory_space<vmem>> -> memref<336x128xf32, #tpu.memory_space<vmem>>
    tpu.enqueue_dma source(%dma_start3A_132 : memref<336x128xf32, #tpu.memory_space<vmem>>) target(%dma_start3A_130 : memref<336x128xf32, #tpu.memory_space<hbm>>) target_semaphore(%arg8 : memref<!tpu.dma_semaphore, #tpu.memory_space<semaphore_mem>>)
    %slice3A_133 = vector.extract_strided_slice %get3A_44 {offsets = [5], sizes = [1], strides = [1]} : vector<16xi32> to vector<1xi32>
    %squeeze3A_134 = vector.extract %slice3A_133[0] : i32 from vector<1xi32>
    %add3A_135 = arith.constant 0 : i32
    %add3A_136 = arith.addi %mul3A_2, %add3A_135 : i32
    %add3A_137 = arith.constant 5 : i32
    %add3A_138 = arith.addi %add3A_136, %add3A_137 : i32
    %dma_start3A_139 = arith.constant 0 : i32
    %dma_start3A_140 = arith.constant 0 : i32
    %dma_start3A_141 = tpu.memref_slice %arg4[%add3A_138, %dma_start3A_139, %dma_start3A_140] : memref<1024x336x128xf32, #tpu.memory_space<hbm>> -> memref<1x336x128xf32, #tpu.memory_space<hbm>>
    %dma_start3A_142 = tpu.memref_squeeze %dma_start3A_141 : memref<1x336x128xf32, #tpu.memory_space<hbm>> -> memref<336x128xf32, #tpu.memory_space<hbm>>
    %dma_start3A_143 = arith.constant 0 : i32
    %dma_start3A_144 = tpu.memref_slice %arg7[%squeeze3A_134, %dma_start3A_143] : memref<504x128xf32, #tpu.memory_space<vmem_shared>> -> memref<336x128xf32, #tpu.memory_space<vmem_shared>>
    tpu.enqueue_dma source(%dma_start3A_144 : memref<336x128xf32, #tpu.memory_space<vmem_shared>>) target(%dma_start3A_142 : memref<336x128xf32, #tpu.memory_space<hbm>>) target_semaphore(%arg8 : memref<!tpu.dma_semaphore, #tpu.memory_space<semaphore_mem>>)
    %slice3A_145 = vector.extract_strided_slice %get3A_44 {offsets = [6], sizes = [1], strides = [1]} : vector<16xi32> to vector<1xi32>
    %squeeze3A_146 = vector.extract %slice3A_145[0] : i32 from vector<1xi32>
    %add3A_147 = arith.constant 0 : i32
    %add3A_148 = arith.addi %mul3A_2, %add3A_147 : i32
    %add3A_149 = arith.constant 6 : i32
    %add3A_150 = arith.addi %add3A_148, %add3A_149 : i32
    %dma_start3A_151 = arith.constant 0 : i32
    %dma_start3A_152 = arith.constant 0 : i32
    %dma_start3A_153 = tpu.memref_slice %arg4[%add3A_150, %dma_start3A_151, %dma_start3A_152] : memref<1024x336x128xf32, #tpu.memory_space<hbm>> -> memref<1x336x128xf32, #tpu.memory_space<hbm>>
    %dma_start3A_154 = tpu.memref_squeeze %dma_start3A_153 : memref<1x336x128xf32, #tpu.memory_space<hbm>> -> memref<336x128xf32, #tpu.memory_space<hbm>>
    %dma_start3A_155 = arith.constant 0 : i32
    %dma_start3A_156 = tpu.memref_slice %arg7[%squeeze3A_146, %dma_start3A_155] : memref<504x128xf32, #tpu.memory_space<vmem_shared>> -> memref<336x128xf32, #tpu.memory_space<vmem_shared>>
    tpu.enqueue_dma source(%dma_start3A_156 : memref<336x128xf32, #tpu.memory_space<vmem_shared>>) target(%dma_start3A_154 : memref<336x128xf32, #tpu.memory_space<hbm>>) target_semaphore(%arg8 : memref<!tpu.dma_semaphore, #tpu.memory_space<semaphore_mem>>)
    %slice3A_157 = vector.extract_strided_slice %get3A_44 {offsets = [7], sizes = [1], strides = [1]} : vector<16xi32> to vector<1xi32>
    %squeeze3A_158 = vector.extract %slice3A_157[0] : i32 from vector<1xi32>
    %add3A_159 = arith.constant 0 : i32
    %add3A_160 = arith.addi %mul3A_2, %add3A_159 : i32
    %add3A_161 = arith.constant 7 : i32
    %add3A_162 = arith.addi %add3A_160, %add3A_161 : i32
    %dma_start3A_163 = arith.constant 0 : i32
    %dma_start3A_164 = arith.constant 0 : i32
    %dma_start3A_165 = tpu.memref_slice %arg4[%add3A_162, %dma_start3A_163, %dma_start3A_164] : memref<1024x336x128xf32, #tpu.memory_space<hbm>> -> memref<1x336x128xf32, #tpu.memory_space<hbm>>
    %dma_start3A_166 = tpu.memref_squeeze %dma_start3A_165 : memref<1x336x128xf32, #tpu.memory_space<hbm>> -> memref<336x128xf32, #tpu.memory_space<hbm>>
    %dma_start3A_167 = arith.constant 0 : i32
    %dma_start3A_168 = tpu.memref_slice %arg7[%squeeze3A_158, %dma_start3A_167] : memref<504x128xf32, #tpu.memory_space<vmem_shared>> -> memref<336x128xf32, #tpu.memory_space<vmem_shared>>
    tpu.enqueue_dma source(%dma_start3A_168 : memref<336x128xf32, #tpu.memory_space<vmem_shared>>) target(%dma_start3A_166 : memref<336x128xf32, #tpu.memory_space<hbm>>) target_semaphore(%arg8 : memref<!tpu.dma_semaphore, #tpu.memory_space<semaphore_mem>>)
    %slice3A_169 = vector.extract_strided_slice %get3A_44 {offsets = [8], sizes = [1], strides = [1]} : vector<16xi32> to vector<1xi32>
    %squeeze3A_170 = vector.extract %slice3A_169[0] : i32 from vector<1xi32>
    %add3A_171 = arith.constant 0 : i32
    %add3A_172 = arith.addi %mul3A_2, %add3A_171 : i32
    %add3A_173 = arith.constant 8 : i32
    %add3A_174 = arith.addi %add3A_172, %add3A_173 : i32
    %dma_start3A_175 = arith.constant 0 : i32
    %dma_start3A_176 = tpu.memref_slice %arg5[%squeeze3A_170, %dma_start3A_175] : memref<504x128xf32, #tpu.memory_space<vmem>> -> memref<336x128xf32, #tpu.memory_space<vmem>>
    %dma_start3A_177 = arith.constant 0 : i32
    %dma_start3A_178 = arith.constant 0 : i32
    %dma_start3A_179 = tpu.memref_slice %arg4[%add3A_174, %dma_start3A_177, %dma_start3A_178] : memref<1024x336x128xf32, #tpu.memory_space<hbm>> -> memref<1x336x128xf32, #tpu.memory_space<hbm>>
    %dma_start3A_180 = tpu.memref_squeeze %dma_start3A_179 : memref<1x336x128xf32, #tpu.memory_space<hbm>> -> memref<336x128xf32, #tpu.memory_space<hbm>>
    %dma_start3A_181 = arith.constant 0 : i32
    %dma_start3A_182 = arith.constant 0 : i32
    %dma_start3A_183 = tpu.memref_slice %arg4[%add3A_174, %dma_start3A_181, %dma_start3A_182] : memref<1024x336x128xf32, #tpu.memory_space<hbm>> -> memref<1x336x128xf32, #tpu.memory_space<hbm>>
    %dma_start3A_184 = tpu.memref_squeeze %dma_start3A_183 : memref<1x336x128xf32, #tpu.memory_space<hbm>> -> memref<336x128xf32, #tpu.memory_space<hbm>>
    %dma_start3A_185 = arith.constant 0 : i32
    %dma_start3A_186 = tpu.memref_slice %arg5[%squeeze3A_170, %dma_start3A_185] : memref<504x128xf32, #tpu.memory_space<vmem>> -> memref<336x128xf32, #tpu.memory_space<vmem>>
    tpu.enqueue_dma source(%dma_start3A_186 : memref<336x128xf32, #tpu.memory_space<vmem>>) target(%dma_start3A_184 : memref<336x128xf32, #tpu.memory_space<hbm>>) target_semaphore(%arg8 : memref<!tpu.dma_semaphore, #tpu.memory_space<semaphore_mem>>)
    %slice3A_187 = vector.extract_strided_slice %get3A_44 {offsets = [9], sizes = [1], strides = [1]} : vector<16xi32> to vector<1xi32>
    %squeeze3A_188 = vector.extract %slice3A_187[0] : i32 from vector<1xi32>
    %add3A_189 = arith.constant 0 : i32
    %add3A_190 = arith.addi %mul3A_2, %add3A_189 : i32
    %add3A_191 = arith.constant 9 : i32
    %add3A_192 = arith.addi %add3A_190, %add3A_191 : i32
    %dma_start3A_193 = arith.constant 0 : i32
    %dma_start3A_194 = tpu.memref_slice %arg5[%squeeze3A_188, %dma_start3A_193] : memref<504x128xf32, #tpu.memory_space<vmem>> -> memref<336x128xf32, #tpu.memory_space<vmem>>
    %dma_start3A_195 = arith.constant 0 : i32
    %dma_start3A_196 = arith.constant 0 : i32
    %dma_start3A_197 = tpu.memref_slice %arg4[%add3A_192, %dma_start3A_195, %dma_start3A_196] : memref<1024x336x128xf32, #tpu.memory_space<hbm>> -> memref<1x336x128xf32, #tpu.memory_space<hbm>>
    %dma_start3A_198 = tpu.memref_squeeze %dma_start3A_197 : memref<1x336x128xf32, #tpu.memory_space<hbm>> -> memref<336x128xf32, #tpu.memory_space<hbm>>
    %dma_start3A_199 = arith.constant 0 : i32
    %dma_start3A_200 = arith.constant 0 : i32
    %dma_start3A_201 = tpu.memref_slice %arg4[%add3A_192, %dma_start3A_199, %dma_start3A_200] : memref<1024x336x128xf32, #tpu.memory_space<hbm>> -> memref<1x336x128xf32, #tpu.memory_space<hbm>>
    %dma_start3A_202 = tpu.memref_squeeze %dma_start3A_201 : memref<1x336x128xf32, #tpu.memory_space<hbm>> -> memref<336x128xf32, #tpu.memory_space<hbm>>
    %dma_start3A_203 = arith.constant 0 : i32
    %dma_start3A_204 = tpu.memref_slice %arg5[%squeeze3A_188, %dma_start3A_203] : memref<504x128xf32, #tpu.memory_space<vmem>> -> memref<336x128xf32, #tpu.memory_space<vmem>>
    tpu.enqueue_dma source(%dma_start3A_204 : memref<336x128xf32, #tpu.memory_space<vmem>>) target(%dma_start3A_202 : memref<336x128xf32, #tpu.memory_space<hbm>>) target_semaphore(%arg8 : memref<!tpu.dma_semaphore, #tpu.memory_space<semaphore_mem>>)
    %slice3A_205 = vector.extract_strided_slice %get3A_44 {offsets = [10], sizes = [1], strides = [1]} : vector<16xi32> to vector<1xi32>
    %squeeze3A_206 = vector.extract %slice3A_205[0] : i32 from vector<1xi32>
    %add3A_207 = arith.constant 0 : i32
    %add3A_208 = arith.addi %mul3A_2, %add3A_207 : i32
    %add3A_209 = arith.constant 10 : i32
    %add3A_210 = arith.addi %add3A_208, %add3A_209 : i32
    %dma_start3A_211 = arith.constant 0 : i32
    %dma_start3A_212 = tpu.memref_slice %arg5[%squeeze3A_206, %dma_start3A_211] : memref<504x128xf32, #tpu.memory_space<vmem>> -> memref<336x128xf32, #tpu.memory_space<vmem>>
    %dma_start3A_213 = arith.constant 0 : i32
    %dma_start3A_214 = arith.constant 0 : i32
    %dma_start3A_215 = tpu.memref_slice %arg4[%add3A_210, %dma_start3A_213, %dma_start3A_214] : memref<1024x336x128xf32, #tpu.memory_space<hbm>> -> memref<1x336x128xf32, #tpu.memory_space<hbm>>
    %dma_start3A_216 = tpu.memref_squeeze %dma_start3A_215 : memref<1x336x128xf32, #tpu.memory_space<hbm>> -> memref<336x128xf32, #tpu.memory_space<hbm>>
    %dma_start3A_217 = arith.constant 0 : i32
    %dma_start3A_218 = arith.constant 0 : i32
    %dma_start3A_219 = tpu.memref_slice %arg4[%add3A_210, %dma_start3A_217, %dma_start3A_218] : memref<1024x336x128xf32, #tpu.memory_space<hbm>> -> memref<1x336x128xf32, #tpu.memory_space<hbm>>
    %dma_start3A_220 = tpu.memref_squeeze %dma_start3A_219 : memref<1x336x128xf32, #tpu.memory_space<hbm>> -> memref<336x128xf32, #tpu.memory_space<hbm>>
    %dma_start3A_221 = arith.constant 0 : i32
    %dma_start3A_222 = tpu.memref_slice %arg5[%squeeze3A_206, %dma_start3A_221] : memref<504x128xf32, #tpu.memory_space<vmem>> -> memref<336x128xf32, #tpu.memory_space<vmem>>
    tpu.enqueue_dma source(%dma_start3A_222 : memref<336x128xf32, #tpu.memory_space<vmem>>) target(%dma_start3A_220 : memref<336x128xf32, #tpu.memory_space<hbm>>) target_semaphore(%arg8 : memref<!tpu.dma_semaphore, #tpu.memory_space<semaphore_mem>>)
    %slice3A_223 = vector.extract_strided_slice %get3A_44 {offsets = [11], sizes = [1], strides = [1]} : vector<16xi32> to vector<1xi32>
    %squeeze3A_224 = vector.extract %slice3A_223[0] : i32 from vector<1xi32>
    %add3A_225 = arith.constant 0 : i32
    %add3A_226 = arith.addi %mul3A_2, %add3A_225 : i32
    %add3A_227 = arith.constant 11 : i32
    %add3A_228 = arith.addi %add3A_226, %add3A_227 : i32
    %dma_start3A_229 = arith.constant 0 : i32
    %dma_start3A_230 = tpu.memref_slice %arg5[%squeeze3A_224, %dma_start3A_229] : memref<504x128xf32, #tpu.memory_space<vmem>> -> memref<336x128xf32, #tpu.memory_space<vmem>>
    %dma_start3A_231 = arith.constant 0 : i32
    %dma_start3A_232 = arith.constant 0 : i32
    %dma_start3A_233 = tpu.memref_slice %arg4[%add3A_228, %dma_start3A_231, %dma_start3A_232] : memref<1024x336x128xf32, #tpu.memory_space<hbm>> -> memref<1x336x128xf32, #tpu.memory_space<hbm>>
    %dma_start3A_234 = tpu.memref_squeeze %dma_start3A_233 : memref<1x336x128xf32, #tpu.memory_space<hbm>> -> memref<336x128xf32, #tpu.memory_space<hbm>>
    %dma_start3A_235 = arith.constant 0 : i32
    %dma_start3A_236 = arith.constant 0 : i32
    %dma_start3A_237 = tpu.memref_slice %arg4[%add3A_228, %dma_start3A_235, %dma_start3A_236] : memref<1024x336x128xf32, #tpu.memory_space<hbm>> -> memref<1x336x128xf32, #tpu.memory_space<hbm>>
    %dma_start3A_238 = tpu.memref_squeeze %dma_start3A_237 : memref<1x336x128xf32, #tpu.memory_space<hbm>> -> memref<336x128xf32, #tpu.memory_space<hbm>>
    %dma_start3A_239 = arith.constant 0 : i32
    %dma_start3A_240 = tpu.memref_slice %arg5[%squeeze3A_224, %dma_start3A_239] : memref<504x128xf32, #tpu.memory_space<vmem>> -> memref<336x128xf32, #tpu.memory_space<vmem>>
    tpu.enqueue_dma source(%dma_start3A_240 : memref<336x128xf32, #tpu.memory_space<vmem>>) target(%dma_start3A_238 : memref<336x128xf32, #tpu.memory_space<hbm>>) target_semaphore(%arg8 : memref<!tpu.dma_semaphore, #tpu.memory_space<semaphore_mem>>)
    %slice3A_241 = vector.extract_strided_slice %get3A_44 {offsets = [12], sizes = [1], strides = [1]} : vector<16xi32> to vector<1xi32>
    %squeeze3A_242 = vector.extract %slice3A_241[0] : i32 from vector<1xi32>
    %add3A_243 = arith.constant 0 : i32
    %add3A_244 = arith.addi %mul3A_2, %add3A_243 : i32
    %add3A_245 = arith.constant 12 : i32
    %add3A_246 = arith.addi %add3A_244, %add3A_245 : i32
    %dma_start3A_247 = arith.constant 0 : i32
    %dma_start3A_248 = tpu.memref_slice %arg5[%squeeze3A_242, %dma_start3A_247] : memref<504x128xf32, #tpu.memory_space<vmem>> -> memref<336x128xf32, #tpu.memory_space<vmem>>
    %dma_start3A_249 = arith.constant 0 : i32
    %dma_start3A_250 = arith.constant 0 : i32
    %dma_start3A_251 = tpu.memref_slice %arg4[%add3A_246, %dma_start3A_249, %dma_start3A_250] : memref<1024x336x128xf32, #tpu.memory_space<hbm>> -> memref<1x336x128xf32, #tpu.memory_space<hbm>>
    %dma_start3A_252 = tpu.memref_squeeze %dma_start3A_251 : memref<1x336x128xf32, #tpu.memory_space<hbm>> -> memref<336x128xf32, #tpu.memory_space<hbm>>
    %dma_start3A_253 = arith.constant 0 : i32
    %dma_start3A_254 = arith.constant 0 : i32
    %dma_start3A_255 = tpu.memref_slice %arg4[%add3A_246, %dma_start3A_253, %dma_start3A_254] : memref<1024x336x128xf32, #tpu.memory_space<hbm>> -> memref<1x336x128xf32, #tpu.memory_space<hbm>>
    %dma_start3A_256 = tpu.memref_squeeze %dma_start3A_255 : memref<1x336x128xf32, #tpu.memory_space<hbm>> -> memref<336x128xf32, #tpu.memory_space<hbm>>
    %dma_start3A_257 = arith.constant 0 : i32
    %dma_start3A_258 = tpu.memref_slice %arg5[%squeeze3A_242, %dma_start3A_257] : memref<504x128xf32, #tpu.memory_space<vmem>> -> memref<336x128xf32, #tpu.memory_space<vmem>>
    tpu.enqueue_dma source(%dma_start3A_258 : memref<336x128xf32, #tpu.memory_space<vmem>>) target(%dma_start3A_256 : memref<336x128xf32, #tpu.memory_space<hbm>>) target_semaphore(%arg8 : memref<!tpu.dma_semaphore, #tpu.memory_space<semaphore_mem>>)
    %slice3A_259 = vector.extract_strided_slice %get3A_44 {offsets = [13], sizes = [1], strides = [1]} : vector<16xi32> to vector<1xi32>
    %squeeze3A_260 = vector.extract %slice3A_259[0] : i32 from vector<1xi32>
    %add3A_261 = arith.constant 0 : i32
    %add3A_262 = arith.addi %mul3A_2, %add3A_261 : i32
    %add3A_263 = arith.constant 13 : i32
    %add3A_264 = arith.addi %add3A_262, %add3A_263 : i32
    %dma_start3A_265 = arith.constant 0 : i32
    %dma_start3A_266 = arith.constant 0 : i32
    %dma_start3A_267 = tpu.memref_slice %arg4[%add3A_264, %dma_start3A_265, %dma_start3A_266] : memref<1024x336x128xf32, #tpu.memory_space<hbm>> -> memref<1x336x128xf32, #tpu.memory_space<hbm>>
    %dma_start3A_268 = tpu.memref_squeeze %dma_start3A_267 : memref<1x336x128xf32, #tpu.memory_space<hbm>> -> memref<336x128xf32, #tpu.memory_space<hbm>>
    %dma_start3A_269 = arith.constant 0 : i32
    %dma_start3A_270 = tpu.memref_slice %arg7[%squeeze3A_260, %dma_start3A_269] : memref<504x128xf32, #tpu.memory_space<vmem_shared>> -> memref<336x128xf32, #tpu.memory_space<vmem_shared>>
    tpu.enqueue_dma source(%dma_start3A_270 : memref<336x128xf32, #tpu.memory_space<vmem_shared>>) target(%dma_start3A_268 : memref<336x128xf32, #tpu.memory_space<hbm>>) target_semaphore(%arg8 : memref<!tpu.dma_semaphore, #tpu.memory_space<semaphore_mem>>)
    %slice3A_271 = vector.extract_strided_slice %get3A_44 {offsets = [14], sizes = [1], strides = [1]} : vector<16xi32> to vector<1xi32>
    %squeeze3A_272 = vector.extract %slice3A_271[0] : i32 from vector<1xi32>
    %add3A_273 = arith.constant 0 : i32
    %add3A_274 = arith.addi %mul3A_2, %add3A_273 : i32
    %add3A_275 = arith.constant 14 : i32
    %add3A_276 = arith.addi %add3A_274, %add3A_275 : i32
    %dma_start3A_277 = arith.constant 0 : i32
    %dma_start3A_278 = arith.constant 0 : i32
    %dma_start3A_279 = tpu.memref_slice %arg4[%add3A_276, %dma_start3A_277, %dma_start3A_278] : memref<1024x336x128xf32, #tpu.memory_space<hbm>> -> memref<1x336x128xf32, #tpu.memory_space<hbm>>
    %dma_start3A_280 = tpu.memref_squeeze %dma_start3A_279 : memref<1x336x128xf32, #tpu.memory_space<hbm>> -> memref<336x128xf32, #tpu.memory_space<hbm>>
    %dma_start3A_281 = arith.constant 0 : i32
    %dma_start3A_282 = tpu.memref_slice %arg7[%squeeze3A_272, %dma_start3A_281] : memref<504x128xf32, #tpu.memory_space<vmem_shared>> -> memref<336x128xf32, #tpu.memory_space<vmem_shared>>
    tpu.enqueue_dma source(%dma_start3A_282 : memref<336x128xf32, #tpu.memory_space<vmem_shared>>) target(%dma_start3A_280 : memref<336x128xf32, #tpu.memory_space<hbm>>) target_semaphore(%arg8 : memref<!tpu.dma_semaphore, #tpu.memory_space<semaphore_mem>>)
    %slice3A_283 = vector.extract_strided_slice %get3A_44 {offsets = [15], sizes = [1], strides = [1]} : vector<16xi32> to vector<1xi32>
    %squeeze3A_284 = vector.extract %slice3A_283[0] : i32 from vector<1xi32>
    %add3A_285 = arith.constant 0 : i32
    %add3A_286 = arith.addi %mul3A_2, %add3A_285 : i32
    %add3A_287 = arith.constant 15 : i32
    %add3A_288 = arith.addi %add3A_286, %add3A_287 : i32
    %dma_start3A_289 = arith.constant 0 : i32
    %dma_start3A_290 = arith.constant 0 : i32
    %dma_start3A_291 = tpu.memref_slice %arg4[%add3A_288, %dma_start3A_289, %dma_start3A_290] : memref<1024x336x128xf32, #tpu.memory_space<hbm>> -> memref<1x336x128xf32, #tpu.memory_space<hbm>>
    %dma_start3A_292 = tpu.memref_squeeze %dma_start3A_291 : memref<1x336x128xf32, #tpu.memory_space<hbm>> -> memref<336x128xf32, #tpu.memory_space<hbm>>
    %dma_start3A_293 = arith.constant 0 : i32
    %dma_start3A_294 = tpu.memref_slice %arg7[%squeeze3A_284, %dma_start3A_293] : memref<504x128xf32, #tpu.memory_space<vmem_shared>> -> memref<336x128xf32, #tpu.memory_space<vmem_shared>>
    tpu.enqueue_dma source(%dma_start3A_294 : memref<336x128xf32, #tpu.memory_space<vmem_shared>>) target(%dma_start3A_292 : memref<336x128xf32, #tpu.memory_space<hbm>>) target_semaphore(%arg8 : memref<!tpu.dma_semaphore, #tpu.memory_space<semaphore_mem>>)
    %get3A_295 = arith.constant 16 : index
    %get3A_296 = tpu.vector_load %arg6[%get3A_295] {strides = array<i32>} : memref<32xi32, #tpu.memory_space<vmem>>, vector<16xi32>,
    %get3A_297 = vector.shape_cast %get3A_296 : vector<16xi32> to vector<16xi32>
    %slice3A_298 = vector.extract_strided_slice %get3A_297 {offsets = [0], sizes = [1], strides = [1]} : vector<16xi32> to vector<1xi32>
    %squeeze3A_299 = vector.extract %slice3A_298[0] : i32 from vector<1xi32>
    %add3A_300 = arith.constant 16 : i32
    %add3A_301 = arith.addi %mul3A_2, %add3A_300 : i32
    %add3A_302 = arith.constant 0 : i32
    %add3A_303 = arith.addi %add3A_301, %add3A_302 : i32
    %dma_start3A_304 = arith.constant 0 : i32
    %dma_start3A_305 = tpu.memref_slice %arg5[%squeeze3A_299, %dma_start3A_304] : memref<504x128xf32, #tpu.memory_space<vmem>> -> memref<336x128xf32, #tpu.memory_space<vmem>>
    %dma_start3A_306 = arith.constant 0 : i32
    %dma_start3A_307 = arith.constant 0 : i32
    %dma_start3A_308 = tpu.memref_slice %arg4[%add3A_303, %dma_start3A_306, %dma_start3A_307] : memref<1024x336x128xf32, #tpu.memory_space<hbm>> -> memref<1x336x128xf32, #tpu.memory_space<hbm>>
    %dma_start3A_309 = tpu.memref_squeeze %dma_start3A_308 : memref<1x336x128xf32, #tpu.memory_space<hbm>> -> memref<336x128xf32, #tpu.memory_space<hbm>>
    %dma_start3A_310 = arith.constant 0 : i32
    %dma_start3A_311 = arith.constant 0 : i32
    %dma_start3A_312 = tpu.memref_slice %arg4[%add3A_303, %dma_start3A_310, %dma_start3A_311] : memref<1024x336x128xf32, #tpu.memory_space<hbm>> -> memref<1x336x128xf32, #tpu.memory_space<hbm>>
    %dma_start3A_313 = tpu.memref_squeeze %dma_start3A_312 : memref<1x336x128xf32, #tpu.memory_space<hbm>> -> memref<336x128xf32, #tpu.memory_space<hbm>>
    %dma_start3A_314 = arith.constant 0 : i32
    %dma_start3A_315 = tpu.memref_slice %arg5[%squeeze3A_299, %dma_start3A_314] : memref<504x128xf32, #tpu.memory_space<vmem>> -> memref<336x128xf32, #tpu.memory_space<vmem>>
    tpu.enqueue_dma source(%dma_start3A_315 : memref<336x128xf32, #tpu.memory_space<vmem>>) target(%dma_start3A_313 : memref<336x128xf32, #tpu.memory_space<hbm>>) target_semaphore(%arg8 : memref<!tpu.dma_semaphore, #tpu.memory_space<semaphore_mem>>)
    %slice3A_316 = vector.extract_strided_slice %get3A_297 {offsets = [1], sizes = [1], strides = [1]} : vector<16xi32> to vector<1xi32>
    %squeeze3A_317 = vector.extract %slice3A_316[0] : i32 from vector<1xi32>
    %add3A_318 = arith.constant 16 : i32
    %add3A_319 = arith.addi %mul3A_2, %add3A_318 : i32
    %add3A_320 = arith.constant 1 : i32
    %add3A_321 = arith.addi %add3A_319, %add3A_320 : i32
    %dma_start3A_322 = arith.constant 0 : i32
    %dma_start3A_323 = tpu.memref_slice %arg5[%squeeze3A_317, %dma_start3A_322] : memref<504x128xf32, #tpu.memory_space<vmem>> -> memref<336x128xf32, #tpu.memory_space<vmem>>
    %dma_start3A_324 = arith.constant 0 : i32
    %dma_start3A_325 = arith.constant 0 : i32
    %dma_start3A_326 = tpu.memref_slice %arg4[%add3A_321, %dma_start3A_324, %dma_start3A_325] : memref<1024x336x128xf32, #tpu.memory_space<hbm>> -> memref<1x336x128xf32, #tpu.memory_space<hbm>>
    %dma_start3A_327 = tpu.memref_squeeze %dma_start3A_326 : memref<1x336x128xf32, #tpu.memory_space<hbm>> -> memref<336x128xf32, #tpu.memory_space<hbm>>
    %dma_start3A_328 = arith.constant 0 : i32
    %dma_start3A_329 = arith.constant 0 : i32
    %dma_start3A_330 = tpu.memref_slice %arg4[%add3A_321, %dma_start3A_328, %dma_start3A_329] : memref<1024x336x128xf32, #tpu.memory_space<hbm>> -> memref<1x336x128xf32, #tpu.memory_space<hbm>>
    %dma_start3A_331 = tpu.memref_squeeze %dma_start3A_330 : memref<1x336x128xf32, #tpu.memory_space<hbm>> -> memref<336x128xf32, #tpu.memory_space<hbm>>
    %dma_start3A_332 = arith.constant 0 : i32
    %dma_start3A_333 = tpu.memref_slice %arg5[%squeeze3A_317, %dma_start3A_332] : memref<504x128xf32, #tpu.memory_space<vmem>> -> memref<336x128xf32, #tpu.memory_space<vmem>>
    tpu.enqueue_dma source(%dma_start3A_333 : memref<336x128xf32, #tpu.memory_space<vmem>>) target(%dma_start3A_331 : memref<336x128xf32, #tpu.memory_space<hbm>>) target_semaphore(%arg8 : memref<!tpu.dma_semaphore, #tpu.memory_space<semaphore_mem>>)
    %slice3A_334 = vector.extract_strided_slice %get3A_297 {offsets = [2], sizes = [1], strides = [1]} : vector<16xi32> to vector<1xi32>
    %squeeze3A_335 = vector.extract %slice3A_334[0] : i32 from vector<1xi32>
    %add3A_336 = arith.constant 16 : i32
    %add3A_337 = arith.addi %mul3A_2, %add3A_336 : i32
    %add3A_338 = arith.constant 2 : i32
    %add3A_339 = arith.addi %add3A_337, %add3A_338 : i32
    %dma_start3A_340 = arith.constant 0 : i32
    %dma_start3A_341 = tpu.memref_slice %arg5[%squeeze3A_335, %dma_start3A_340] : memref<504x128xf32, #tpu.memory_space<vmem>> -> memref<336x128xf32, #tpu.memory_space<vmem>>
    %dma_start3A_342 = arith.constant 0 : i32
    %dma_start3A_343 = arith.constant 0 : i32
    %dma_start3A_344 = tpu.memref_slice %arg4[%add3A_339, %dma_start3A_342, %dma_start3A_343] : memref<1024x336x128xf32, #tpu.memory_space<hbm>> -> memref<1x336x128xf32, #tpu.memory_space<hbm>>
    %dma_start3A_345 = tpu.memref_squeeze %dma_start3A_344 : memref<1x336x128xf32, #tpu.memory_space<hbm>> -> memref<336x128xf32, #tpu.memory_space<hbm>>
    %dma_start3A_346 = arith.constant 0 : i32
    %dma_start3A_347 = arith.constant 0 : i32
    %dma_start3A_348 = tpu.memref_slice %arg4[%add3A_339, %dma_start3A_346, %dma_start3A_347] : memref<1024x336x128xf32, #tpu.memory_space<hbm>> -> memref<1x336x128xf32, #tpu.memory_space<hbm>>
    %dma_start3A_349 = tpu.memref_squeeze %dma_start3A_348 : memref<1x336x128xf32, #tpu.memory_space<hbm>> -> memref<336x128xf32, #tpu.memory_space<hbm>>
    %dma_start3A_350 = arith.constant 0 : i32
    %dma_start3A_351 = tpu.memref_slice %arg5[%squeeze3A_335, %dma_start3A_350] : memref<504x128xf32, #tpu.memory_space<vmem>> -> memref<336x128xf32, #tpu.memory_space<vmem>>
    tpu.enqueue_dma source(%dma_start3A_351 : memref<336x128xf32, #tpu.memory_space<vmem>>) target(%dma_start3A_349 : memref<336x128xf32, #tpu.memory_space<hbm>>) target_semaphore(%arg8 : memref<!tpu.dma_semaphore, #tpu.memory_space<semaphore_mem>>)
    %slice3A_352 = vector.extract_strided_slice %get3A_297 {offsets = [3], sizes = [1], strides = [1]} : vector<16xi32> to vector<1xi32>
    %squeeze3A_353 = vector.extract %slice3A_352[0] : i32 from vector<1xi32>
    %add3A_354 = arith.constant 16 : i32
    %add3A_355 = arith.addi %mul3A_2, %add3A_354 : i32
    %add3A_356 = arith.constant 3 : i32
    %add3A_357 = arith.addi %add3A_355, %add3A_356 : i32
    %dma_start3A_358 = arith.constant 0 : i32
    %dma_start3A_359 = tpu.memref_slice %arg5[%squeeze3A_353, %dma_start3A_358] : memref<504x128xf32, #tpu.memory_space<vmem>> -> memref<336x128xf32, #tpu.memory_space<vmem>>
    %dma_start3A_360 = arith.constant 0 : i32
    %dma_start3A_361 = arith.constant 0 : i32
    %dma_start3A_362 = tpu.memref_slice %arg4[%add3A_357, %dma_start3A_360, %dma_start3A_361] : memref<1024x336x128xf32, #tpu.memory_space<hbm>> -> memref<1x336x128xf32, #tpu.memory_space<hbm>>
    %dma_start3A_363 = tpu.memref_squeeze %dma_start3A_362 : memref<1x336x128xf32, #tpu.memory_space<hbm>> -> memref<336x128xf32, #tpu.memory_space<hbm>>
    %dma_start3A_364 = arith.constant 0 : i32
    %dma_start3A_365 = arith.constant 0 : i32
    %dma_start3A_366 = tpu.memref_slice %arg4[%add3A_357, %dma_start3A_364, %dma_start3A_365] : memref<1024x336x128xf32, #tpu.memory_space<hbm>> -> memref<1x336x128xf32, #tpu.memory_space<hbm>>
    %dma_start3A_367 = tpu.memref_squeeze %dma_start3A_366 : memref<1x336x128xf32, #tpu.memory_space<hbm>> -> memref<336x128xf32, #tpu.memory_space<hbm>>
    %dma_start3A_368 = arith.constant 0 : i32
    %dma_start3A_369 = tpu.memref_slice %arg5[%squeeze3A_353, %dma_start3A_368] : memref<504x128xf32, #tpu.memory_space<vmem>> -> memref<336x128xf32, #tpu.memory_space<vmem>>
    tpu.enqueue_dma source(%dma_start3A_369 : memref<336x128xf32, #tpu.memory_space<vmem>>) target(%dma_start3A_367 : memref<336x128xf32, #tpu.memory_space<hbm>>) target_semaphore(%arg8 : memref<!tpu.dma_semaphore, #tpu.memory_space<semaphore_mem>>)
    %slice3A_370 = vector.extract_strided_slice %get3A_297 {offsets = [4], sizes = [1], strides = [1]} : vector<16xi32> to vector<1xi32>
    %squeeze3A_371 = vector.extract %slice3A_370[0] : i32 from vector<1xi32>
    %add3A_372 = arith.constant 16 : i32
    %add3A_373 = arith.addi %mul3A_2, %add3A_372 : i32
    %add3A_374 = arith.constant 4 : i32
    %add3A_375 = arith.addi %add3A_373, %add3A_374 : i32
    %dma_start3A_376 = arith.constant 0 : i32
    %dma_start3A_377 = tpu.memref_slice %arg5[%squeeze3A_371, %dma_start3A_376] : memref<504x128xf32, #tpu.memory_space<vmem>> -> memref<336x128xf32, #tpu.memory_space<vmem>>
    %dma_start3A_378 = arith.constant 0 : i32
    %dma_start3A_379 = arith.constant 0 : i32
    %dma_start3A_380 = tpu.memref_slice %arg4[%add3A_375, %dma_start3A_378, %dma_start3A_379] : memref<1024x336x128xf32, #tpu.memory_space<hbm>> -> memref<1x336x128xf32, #tpu.memory_space<hbm>>
    %dma_start3A_381 = tpu.memref_squeeze %dma_start3A_380 : memref<1x336x128xf32, #tpu.memory_space<hbm>> -> memref<336x128xf32, #tpu.memory_space<hbm>>
    %dma_start3A_382 = arith.constant 0 : i32
    %dma_start3A_383 = arith.constant 0 : i32
    %dma_start3A_384 = tpu.memref_slice %arg4[%add3A_375, %dma_start3A_382, %dma_start3A_383] : memref<1024x336x128xf32, #tpu.memory_space<hbm>> -> memref<1x336x128xf32, #tpu.memory_space<hbm>>
    %dma_start3A_385 = tpu.memref_squeeze %dma_start3A_384 : memref<1x336x128xf32, #tpu.memory_space<hbm>> -> memref<336x128xf32, #tpu.memory_space<hbm>>
    %dma_start3A_386 = arith.constant 0 : i32
    %dma_start3A_387 = tpu.memref_slice %arg5[%squeeze3A_371, %dma_start3A_386] : memref<504x128xf32, #tpu.memory_space<vmem>> -> memref<336x128xf32, #tpu.memory_space<vmem>>
    tpu.enqueue_dma source(%dma_start3A_387 : memref<336x128xf32, #tpu.memory_space<vmem>>) target(%dma_start3A_385 : memref<336x128xf32, #tpu.memory_space<hbm>>) target_semaphore(%arg8 : memref<!tpu.dma_semaphore, #tpu.memory_space<semaphore_mem>>)
    %slice3A_388 = vector.extract_strided_slice %get3A_297 {offsets = [5], sizes = [1], strides = [1]} : vector<16xi32> to vector<1xi32>
    %squeeze3A_389 = vector.extract %slice3A_388[0] : i32 from vector<1xi32>
    %add3A_390 = arith.constant 16 : i32
    %add3A_391 = arith.addi %mul3A_2, %add3A_390 : i32
    %add3A_392 = arith.constant 5 : i32
    %add3A_393 = arith.addi %add3A_391, %add3A_392 : i32
    %dma_start3A_394 = arith.constant 0 : i32
    %dma_start3A_395 = arith.constant 0 : i32
    %dma_start3A_396 = tpu.memref_slice %arg4[%add3A_393, %dma_start3A_394, %dma_start3A_395] : memref<1024x336x128xf32, #tpu.memory_space<hbm>> -> memref<1x336x128xf32, #tpu.memory_space<hbm>>
    %dma_start3A_397 = tpu.memref_squeeze %dma_start3A_396 : memref<1x336x128xf32, #tpu.memory_space<hbm>> -> memref<336x128xf32, #tpu.memory_space<hbm>>
    %dma_start3A_398 = arith.constant 0 : i32
    %dma_start3A_399 = tpu.memref_slice %arg7[%squeeze3A_389, %dma_start3A_398] : memref<504x128xf32, #tpu.memory_space<vmem_shared>> -> memref<336x128xf32, #tpu.memory_space<vmem_shared>>
    tpu.enqueue_dma source(%dma_start3A_399 : memref<336x128xf32, #tpu.memory_space<vmem_shared>>) target(%dma_start3A_397 : memref<336x128xf32, #tpu.memory_space<hbm>>) target_semaphore(%arg8 : memref<!tpu.dma_semaphore, #tpu.memory_space<semaphore_mem>>)
    %slice3A_400 = vector.extract_strided_slice %get3A_297 {offsets = [6], sizes = [1], strides = [1]} : vector<16xi32> to vector<1xi32>
    %squeeze3A_401 = vector.extract %slice3A_400[0] : i32 from vector<1xi32>
    %add3A_402 = arith.constant 16 : i32
    %add3A_403 = arith.addi %mul3A_2, %add3A_402 : i32
    %add3A_404 = arith.constant 6 : i32
    %add3A_405 = arith.addi %add3A_403, %add3A_404 : i32
    %dma_start3A_406 = arith.constant 0 : i32
    %dma_start3A_407 = arith.constant 0 : i32
    %dma_start3A_408 = tpu.memref_slice %arg4[%add3A_405, %dma_start3A_406, %dma_start3A_407] : memref<1024x336x128xf32, #tpu.memory_space<hbm>> -> memref<1x336x128xf32, #tpu.memory_space<hbm>>
    %dma_start3A_409 = tpu.memref_squeeze %dma_start3A_408 : memref<1x336x128xf32, #tpu.memory_space<hbm>> -> memref<336x128xf32, #tpu.memory_space<hbm>>
    %dma_start3A_410 = arith.constant 0 : i32
    %dma_start3A_411 = tpu.memref_slice %arg7[%squeeze3A_401, %dma_start3A_410] : memref<504x128xf32, #tpu.memory_space<vmem_shared>> -> memref<336x128xf32, #tpu.memory_space<vmem_shared>>
    tpu.enqueue_dma source(%dma_start3A_411 : memref<336x128xf32, #tpu.memory_space<vmem_shared>>) target(%dma_start3A_409 : memref<336x128xf32, #tpu.memory_space<hbm>>) target_semaphore(%arg8 : memref<!tpu.dma_semaphore, #tpu.memory_space<semaphore_mem>>)
    %slice3A_412 = vector.extract_strided_slice %get3A_297 {offsets = [7], sizes = [1], strides = [1]} : vector<16xi32> to vector<1xi32>
    %squeeze3A_413 = vector.extract %slice3A_412[0] : i32 from vector<1xi32>
    %add3A_414 = arith.constant 16 : i32
    %add3A_415 = arith.addi %mul3A_2, %add3A_414 : i32
    %add3A_416 = arith.constant 7 : i32
    %add3A_417 = arith.addi %add3A_415, %add3A_416 : i32
    %dma_start3A_418 = arith.constant 0 : i32
    %dma_start3A_419 = arith.constant 0 : i32
    %dma_start3A_420 = tpu.memref_slice %arg4[%add3A_417, %dma_start3A_418, %dma_start3A_419] : memref<1024x336x128xf32, #tpu.memory_space<hbm>> -> memref<1x336x128xf32, #tpu.memory_space<hbm>>
    %dma_start3A_421 = tpu.memref_squeeze %dma_start3A_420 : memref<1x336x128xf32, #tpu.memory_space<hbm>> -> memref<336x128xf32, #tpu.memory_space<hbm>>
    %dma_start3A_422 = arith.constant 0 : i32
    %dma_start3A_423 = tpu.memref_slice %arg7[%squeeze3A_413, %dma_start3A_422] : memref<504x128xf32, #tpu.memory_space<vmem_shared>> -> memref<336x128xf32, #tpu.memory_space<vmem_shared>>
    tpu.enqueue_dma source(%dma_start3A_423 : memref<336x128xf32, #tpu.memory_space<vmem_shared>>) target(%dma_start3A_421 : memref<336x128xf32, #tpu.memory_space<hbm>>) target_semaphore(%arg8 : memref<!tpu.dma_semaphore, #tpu.memory_space<semaphore_mem>>)
    %slice3A_424 = vector.extract_strided_slice %get3A_297 {offsets = [8], sizes = [1], strides = [1]} : vector<16xi32> to vector<1xi32>
    %squeeze3A_425 = vector.extract %slice3A_424[0] : i32 from vector<1xi32>
    %add3A_426 = arith.constant 16 : i32
    %add3A_427 = arith.addi %mul3A_2, %add3A_426 : i32
    %add3A_428 = arith.constant 8 : i32
    %add3A_429 = arith.addi %add3A_427, %add3A_428 : i32
    %dma_start3A_430 = arith.constant 0 : i32
    %dma_start3A_431 = tpu.memref_slice %arg5[%squeeze3A_425, %dma_start3A_430] : memref<504x128xf32, #tpu.memory_space<vmem>> -> memref<336x128xf32, #tpu.memory_space<vmem>>
    %dma_start3A_432 = arith.constant 0 : i32
    %dma_start3A_433 = arith.constant 0 : i32
    %dma_start3A_434 = tpu.memref_slice %arg4[%add3A_429, %dma_start3A_432, %dma_start3A_433] : memref<1024x336x128xf32, #tpu.memory_space<hbm>> -> memref<1x336x128xf32, #tpu.memory_space<hbm>>
    %dma_start3A_435 = tpu.memref_squeeze %dma_start3A_434 : memref<1x336x128xf32, #tpu.memory_space<hbm>> -> memref<336x128xf32, #tpu.memory_space<hbm>>
    %dma_start3A_436 = arith.constant 0 : i32
    %dma_start3A_437 = arith.constant 0 : i32
    %dma_start3A_438 = tpu.memref_slice %arg4[%add3A_429, %dma_start3A_436, %dma_start3A_437] : memref<1024x336x128xf32, #tpu.memory_space<hbm>> -> memref<1x336x128xf32, #tpu.memory_space<hbm>>
    %dma_start3A_439 = tpu.memref_squeeze %dma_start3A_438 : memref<1x336x128xf32, #tpu.memory_space<hbm>> -> memref<336x128xf32, #tpu.memory_space<hbm>>
    %dma_start3A_440 = arith.constant 0 : i32
    %dma_start3A_441 = tpu.memref_slice %arg5[%squeeze3A_425, %dma_start3A_440] : memref<504x128xf32, #tpu.memory_space<vmem>> -> memref<336x128xf32, #tpu.memory_space<vmem>>
    tpu.enqueue_dma source(%dma_start3A_441 : memref<336x128xf32, #tpu.memory_space<vmem>>) target(%dma_start3A_439 : memref<336x128xf32, #tpu.memory_space<hbm>>) target_semaphore(%arg8 : memref<!tpu.dma_semaphore, #tpu.memory_space<semaphore_mem>>)
    %slice3A_442 = vector.extract_strided_slice %get3A_297 {offsets = [9], sizes = [1], strides = [1]} : vector<16xi32> to vector<1xi32>
    %squeeze3A_443 = vector.extract %slice3A_442[0] : i32 from vector<1xi32>
    %add3A_444 = arith.constant 16 : i32
    %add3A_445 = arith.addi %mul3A_2, %add3A_444 : i32
    %add3A_446 = arith.constant 9 : i32
    %add3A_447 = arith.addi %add3A_445, %add3A_446 : i32
    %dma_start3A_448 = arith.constant 0 : i32
    %dma_start3A_449 = tpu.memref_slice %arg5[%squeeze3A_443, %dma_start3A_448] : memref<504x128xf32, #tpu.memory_space<vmem>> -> memref<336x128xf32, #tpu.memory_space<vmem>>
    %dma_start3A_450 = arith.constant 0 : i32
    %dma_start3A_451 = arith.constant 0 : i32
    %dma_start3A_452 = tpu.memref_slice %arg4[%add3A_447, %dma_start3A_450, %dma_start3A_451] : memref<1024x336x128xf32, #tpu.memory_space<hbm>> -> memref<1x336x128xf32, #tpu.memory_space<hbm>>
    %dma_start3A_453 = tpu.memref_squeeze %dma_start3A_452 : memref<1x336x128xf32, #tpu.memory_space<hbm>> -> memref<336x128xf32, #tpu.memory_space<hbm>>
    %dma_start3A_454 = arith.constant 0 : i32
    %dma_start3A_455 = arith.constant 0 : i32
    %dma_start3A_456 = tpu.memref_slice %arg4[%add3A_447, %dma_start3A_454, %dma_start3A_455] : memref<1024x336x128xf32, #tpu.memory_space<hbm>> -> memref<1x336x128xf32, #tpu.memory_space<hbm>>
    %dma_start3A_457 = tpu.memref_squeeze %dma_start3A_456 : memref<1x336x128xf32, #tpu.memory_space<hbm>> -> memref<336x128xf32, #tpu.memory_space<hbm>>
    %dma_start3A_458 = arith.constant 0 : i32
    %dma_start3A_459 = tpu.memref_slice %arg5[%squeeze3A_443, %dma_start3A_458] : memref<504x128xf32, #tpu.memory_space<vmem>> -> memref<336x128xf32, #tpu.memory_space<vmem>>
    tpu.enqueue_dma source(%dma_start3A_459 : memref<336x128xf32, #tpu.memory_space<vmem>>) target(%dma_start3A_457 : memref<336x128xf32, #tpu.memory_space<hbm>>) target_semaphore(%arg8 : memref<!tpu.dma_semaphore, #tpu.memory_space<semaphore_mem>>)
    %slice3A_460 = vector.extract_strided_slice %get3A_297 {offsets = [10], sizes = [1], strides = [1]} : vector<16xi32> to vector<1xi32>
    %squeeze3A_461 = vector.extract %slice3A_460[0] : i32 from vector<1xi32>
    %add3A_462 = arith.constant 16 : i32
    %add3A_463 = arith.addi %mul3A_2, %add3A_462 : i32
    %add3A_464 = arith.constant 10 : i32
    %add3A_465 = arith.addi %add3A_463, %add3A_464 : i32
    %dma_start3A_466 = arith.constant 0 : i32
    %dma_start3A_467 = tpu.memref_slice %arg5[%squeeze3A_461, %dma_start3A_466] : memref<504x128xf32, #tpu.memory_space<vmem>> -> memref<336x128xf32, #tpu.memory_space<vmem>>
    %dma_start3A_468 = arith.constant 0 : i32
    %dma_start3A_469 = arith.constant 0 : i32
    %dma_start3A_470 = tpu.memref_slice %arg4[%add3A_465, %dma_start3A_468, %dma_start3A_469] : memref<1024x336x128xf32, #tpu.memory_space<hbm>> -> memref<1x336x128xf32, #tpu.memory_space<hbm>>
    %dma_start3A_471 = tpu.memref_squeeze %dma_start3A_470 : memref<1x336x128xf32, #tpu.memory_space<hbm>> -> memref<336x128xf32, #tpu.memory_space<hbm>>
    %dma_start3A_472 = arith.constant 0 : i32
    %dma_start3A_473 = arith.constant 0 : i32
    %dma_start3A_474 = tpu.memref_slice %arg4[%add3A_465, %dma_start3A_472, %dma_start3A_473] : memref<1024x336x128xf32, #tpu.memory_space<hbm>> -> memref<1x336x128xf32, #tpu.memory_space<hbm>>
    %dma_start3A_475 = tpu.memref_squeeze %dma_start3A_474 : memref<1x336x128xf32, #tpu.memory_space<hbm>> -> memref<336x128xf32, #tpu.memory_space<hbm>>
    %dma_start3A_476 = arith.constant 0 : i32
    %dma_start3A_477 = tpu.memref_slice %arg5[%squeeze3A_461, %dma_start3A_476] : memref<504x128xf32, #tpu.memory_space<vmem>> -> memref<336x128xf32, #tpu.memory_space<vmem>>
    tpu.enqueue_dma source(%dma_start3A_477 : memref<336x128xf32, #tpu.memory_space<vmem>>) target(%dma_start3A_475 : memref<336x128xf32, #tpu.memory_space<hbm>>) target_semaphore(%arg8 : memref<!tpu.dma_semaphore, #tpu.memory_space<semaphore_mem>>)
    %slice3A_478 = vector.extract_strided_slice %get3A_297 {offsets = [11], sizes = [1], strides = [1]} : vector<16xi32> to vector<1xi32>
    %squeeze3A_479 = vector.extract %slice3A_478[0] : i32 from vector<1xi32>
    %add3A_480 = arith.constant 16 : i32
    %add3A_481 = arith.addi %mul3A_2, %add3A_480 : i32
    %add3A_482 = arith.constant 11 : i32
    %add3A_483 = arith.addi %add3A_481, %add3A_482 : i32
    %dma_start3A_484 = arith.constant 0 : i32
    %dma_start3A_485 = tpu.memref_slice %arg5[%squeeze3A_479, %dma_start3A_484] : memref<504x128xf32, #tpu.memory_space<vmem>> -> memref<336x128xf32, #tpu.memory_space<vmem>>
    %dma_start3A_486 = arith.constant 0 : i32
    %dma_start3A_487 = arith.constant 0 : i32
    %dma_start3A_488 = tpu.memref_slice %arg4[%add3A_483, %dma_start3A_486, %dma_start3A_487] : memref<1024x336x128xf32, #tpu.memory_space<hbm>> -> memref<1x336x128xf32, #tpu.memory_space<hbm>>
    %dma_start3A_489 = tpu.memref_squeeze %dma_start3A_488 : memref<1x336x128xf32, #tpu.memory_space<hbm>> -> memref<336x128xf32, #tpu.memory_space<hbm>>
    %dma_start3A_490 = arith.constant 0 : i32
    %dma_start3A_491 = arith.constant 0 : i32
    %dma_start3A_492 = tpu.memref_slice %arg4[%add3A_483, %dma_start3A_490, %dma_start3A_491] : memref<1024x336x128xf32, #tpu.memory_space<hbm>> -> memref<1x336x128xf32, #tpu.memory_space<hbm>>
    %dma_start3A_493 = tpu.memref_squeeze %dma_start3A_492 : memref<1x336x128xf32, #tpu.memory_space<hbm>> -> memref<336x128xf32, #tpu.memory_space<hbm>>
    %dma_start3A_494 = arith.constant 0 : i32
    %dma_start3A_495 = tpu.memref_slice %arg5[%squeeze3A_479, %dma_start3A_494] : memref<504x128xf32, #tpu.memory_space<vmem>> -> memref<336x128xf32, #tpu.memory_space<vmem>>
    tpu.enqueue_dma source(%dma_start3A_495 : memref<336x128xf32, #tpu.memory_space<vmem>>) target(%dma_start3A_493 : memref<336x128xf32, #tpu.memory_space<hbm>>) target_semaphore(%arg8 : memref<!tpu.dma_semaphore, #tpu.memory_space<semaphore_mem>>)
    %slice3A_496 = vector.extract_strided_slice %get3A_297 {offsets = [12], sizes = [1], strides = [1]} : vector<16xi32> to vector<1xi32>
    %squeeze3A_497 = vector.extract %slice3A_496[0] : i32 from vector<1xi32>
    %add3A_498 = arith.constant 16 : i32
    %add3A_499 = arith.addi %mul3A_2, %add3A_498 : i32
    %add3A_500 = arith.constant 12 : i32
    %add3A_501 = arith.addi %add3A_499, %add3A_500 : i32
    %dma_start3A_502 = arith.constant 0 : i32
    %dma_start3A_503 = tpu.memref_slice %arg5[%squeeze3A_497, %dma_start3A_502] : memref<504x128xf32, #tpu.memory_space<vmem>> -> memref<336x128xf32, #tpu.memory_space<vmem>>
    %dma_start3A_504 = arith.constant 0 : i32
    %dma_start3A_505 = arith.constant 0 : i32
    %dma_start3A_506 = tpu.memref_slice %arg4[%add3A_501, %dma_start3A_504, %dma_start3A_505] : memref<1024x336x128xf32, #tpu.memory_space<hbm>> -> memref<1x336x128xf32, #tpu.memory_space<hbm>>
    %dma_start3A_507 = tpu.memref_squeeze %dma_start3A_506 : memref<1x336x128xf32, #tpu.memory_space<hbm>> -> memref<336x128xf32, #tpu.memory_space<hbm>>
    %dma_start3A_508 = arith.constant 0 : i32
    %dma_start3A_509 = arith.constant 0 : i32
    %dma_start3A_510 = tpu.memref_slice %arg4[%add3A_501, %dma_start3A_508, %dma_start3A_509] : memref<1024x336x128xf32, #tpu.memory_space<hbm>> -> memref<1x336x128xf32, #tpu.memory_space<hbm>>
    %dma_start3A_511 = tpu.memref_squeeze %dma_start3A_510 : memref<1x336x128xf32, #tpu.memory_space<hbm>> -> memref<336x128xf32, #tpu.memory_space<hbm>>
    %dma_start3A_512 = arith.constant 0 : i32
    %dma_start3A_513 = tpu.memref_slice %arg5[%squeeze3A_497, %dma_start3A_512] : memref<504x128xf32, #tpu.memory_space<vmem>> -> memref<336x128xf32, #tpu.memory_space<vmem>>
    tpu.enqueue_dma source(%dma_start3A_513 : memref<336x128xf32, #tpu.memory_space<vmem>>) target(%dma_start3A_511 : memref<336x128xf32, #tpu.memory_space<hbm>>) target_semaphore(%arg8 : memref<!tpu.dma_semaphore, #tpu.memory_space<semaphore_mem>>)
    %slice3A_514 = vector.extract_strided_slice %get3A_297 {offsets = [13], sizes = [1], strides = [1]} : vector<16xi32> to vector<1xi32>
    %squeeze3A_515 = vector.extract %slice3A_514[0] : i32 from vector<1xi32>
    %add3A_516 = arith.constant 16 : i32
    %add3A_517 = arith.addi %mul3A_2, %add3A_516 : i32
    %add3A_518 = arith.constant 13 : i32
    %add3A_519 = arith.addi %add3A_517, %add3A_518 : i32
    %dma_start3A_520 = arith.constant 0 : i32
    %dma_start3A_521 = arith.constant 0 : i32
    %dma_start3A_522 = tpu.memref_slice %arg4[%add3A_519, %dma_start3A_520, %dma_start3A_521] : memref<1024x336x128xf32, #tpu.memory_space<hbm>> -> memref<1x336x128xf32, #tpu.memory_space<hbm>>
    %dma_start3A_523 = tpu.memref_squeeze %dma_start3A_522 : memref<1x336x128xf32, #tpu.memory_space<hbm>> -> memref<336x128xf32, #tpu.memory_space<hbm>>
    %dma_start3A_524 = arith.constant 0 : i32
    %dma_start3A_525 = tpu.memref_slice %arg7[%squeeze3A_515, %dma_start3A_524] : memref<504x128xf32, #tpu.memory_space<vmem_shared>> -> memref<336x128xf32, #tpu.memory_space<vmem_shared>>
    tpu.enqueue_dma source(%dma_start3A_525 : memref<336x128xf32, #tpu.memory_space<vmem_shared>>) target(%dma_start3A_523 : memref<336x128xf32, #tpu.memory_space<hbm>>) target_semaphore(%arg8 : memref<!tpu.dma_semaphore, #tpu.memory_space<semaphore_mem>>)
    %slice3A_526 = vector.extract_strided_slice %get3A_297 {offsets = [14], sizes = [1], strides = [1]} : vector<16xi32> to vector<1xi32>
    %squeeze3A_527 = vector.extract %slice3A_526[0] : i32 from vector<1xi32>
    %add3A_528 = arith.constant 16 : i32
    %add3A_529 = arith.addi %mul3A_2, %add3A_528 : i32
    %add3A_530 = arith.constant 14 : i32
    %add3A_531 = arith.addi %add3A_529, %add3A_530 : i32
    %dma_start3A_532 = arith.constant 0 : i32
    %dma_start3A_533 = arith.constant 0 : i32
    %dma_start3A_534 = tpu.memref_slice %arg4[%add3A_531, %dma_start3A_532, %dma_start3A_533] : memref<1024x336x128xf32, #tpu.memory_space<hbm>> -> memref<1x336x128xf32, #tpu.memory_space<hbm>>
    %dma_start3A_535 = tpu.memref_squeeze %dma_start3A_534 : memref<1x336x128xf32, #tpu.memory_space<hbm>> -> memref<336x128xf32, #tpu.memory_space<hbm>>
    %dma_start3A_536 = arith.constant 0 : i32
    %dma_start3A_537 = tpu.memref_slice %arg7[%squeeze3A_527, %dma_start3A_536] : memref<504x128xf32, #tpu.memory_space<vmem_shared>> -> memref<336x128xf32, #tpu.memory_space<vmem_shared>>
    tpu.enqueue_dma source(%dma_start3A_537 : memref<336x128xf32, #tpu.memory_space<vmem_shared>>) target(%dma_start3A_535 : memref<336x128xf32, #tpu.memory_space<hbm>>) target_semaphore(%arg8 : memref<!tpu.dma_semaphore, #tpu.memory_space<semaphore_mem>>)
    %slice3A_538 = vector.extract_strided_slice %get3A_297 {offsets = [15], sizes = [1], strides = [1]} : vector<16xi32> to vector<1xi32>
    %squeeze3A_539 = vector.extract %slice3A_538[0] : i32 from vector<1xi32>
    %add3A_540 = arith.constant 16 : i32
    %add3A_541 = arith.addi %mul3A_2, %add3A_540 : i32
    %add3A_542 = arith.constant 15 : i32
    %add3A_543 = arith.addi %add3A_541, %add3A_542 : i32
    %dma_start3A_544 = arith.constant 0 : i32
    %dma_start3A_545 = arith.constant 0 : i32
    %dma_start3A_546 = tpu.memref_slice %arg4[%add3A_543, %dma_start3A_544, %dma_start3A_545] : memref<1024x336x128xf32, #tpu.memory_space<hbm>> -> memref<1x336x128xf32, #tpu.memory_space<hbm>>
    %dma_start3A_547 = tpu.memref_squeeze %dma_start3A_546 : memref<1x336x128xf32, #tpu.memory_space<hbm>> -> memref<336x128xf32, #tpu.memory_space<hbm>>
    %dma_start3A_548 = arith.constant 0 : i32
    %dma_start3A_549 = tpu.memref_slice %arg7[%squeeze3A_539, %dma_start3A_548] : memref<504x128xf32, #tpu.memory_space<vmem_shared>> -> memref<336x128xf32, #tpu.memory_space<vmem_shared>>
    tpu.enqueue_dma source(%dma_start3A_549 : memref<336x128xf32, #tpu.memory_space<vmem_shared>>) target(%dma_start3A_547 : memref<336x128xf32, #tpu.memory_space<hbm>>) target_semaphore(%arg8 : memref<!tpu.dma_semaphore, #tpu.memory_space<semaphore_mem>>)
    %dma_wait3A_550 = arith.constant 0 : i32
    %dma_wait3A_551 = tpu.memref_slice %arg5[%squeeze3A, %dma_wait3A_550] : memref<504x128xf32, #tpu.memory_space<vmem>> -> memref<336x128xf32, #tpu.memory_space<vmem>>
    %dma_wait3A_552 = arith.constant 0 : i32
    %dma_wait3A_553 = arith.constant 0 : i32
    %dma_wait3A_554 = tpu.memref_slice %arg4[%add3A_48, %dma_wait3A_552, %dma_wait3A_553] : memref<1024x336x128xf32, #tpu.memory_space<hbm>> -> memref<1x336x128xf32, #tpu.memory_space<hbm>>
    %dma_wait3A_555 = tpu.memref_squeeze %dma_wait3A_554 : memref<1x336x128xf32, #tpu.memory_space<hbm>> -> memref<336x128xf32, #tpu.memory_space<hbm>>
    %dma_wait3A_556 = arith.constant 0 : i32
    %dma_wait3A_557 = arith.constant 0 : i32
    %dma_wait3A_558 = tpu.memref_slice %arg4[%add3A_48, %dma_wait3A_556, %dma_wait3A_557] : memref<1024x336x128xf32, #tpu.memory_space<hbm>> -> memref<1x336x128xf32, #tpu.memory_space<hbm>>
    %dma_wait3A_559 = tpu.memref_squeeze %dma_wait3A_558 : memref<1x336x128xf32, #tpu.memory_space<hbm>> -> memref<336x128xf32, #tpu.memory_space<hbm>>
    %dma_wait3A_560 = arith.constant 0 : i32
    %dma_wait3A_561 = tpu.memref_slice %arg5[%squeeze3A, %dma_wait3A_560] : memref<504x128xf32, #tpu.memory_space<vmem>> -> memref<336x128xf32, #tpu.memory_space<vmem>>
    tpu.wait_dma2 semaphore(%arg8 : memref<!tpu.dma_semaphore, #tpu.memory_space<semaphore_mem>>) src(%dma_wait3A_561 : memref<336x128xf32, #tpu.memory_space<vmem>>) dst(%dma_wait3A_559 : memref<336x128xf32, #tpu.memory_space<hbm>>)
    %dma_wait3A_562 = arith.constant 0 : i32
    %dma_wait3A_563 = tpu.memref_slice %arg5[%squeeze3A_62, %dma_wait3A_562] : memref<504x128xf32, #tpu.memory_space<vmem>> -> memref<336x128xf32, #tpu.memory_space<vmem>>
    %dma_wait3A_564 = arith.constant 0 : i32
    %dma_wait3A_565 = arith.constant 0 : i32
    %dma_wait3A_566 = tpu.memref_slice %arg4[%add3A_66, %dma_wait3A_564, %dma_wait3A_565] : memref<1024x336x128xf32, #tpu.memory_space<hbm>> -> memref<1x336x128xf32, #tpu.memory_space<hbm>>
    %dma_wait3A_567 = tpu.memref_squeeze %dma_wait3A_566 : memref<1x336x128xf32, #tpu.memory_space<hbm>> -> memref<336x128xf32, #tpu.memory_space<hbm>>
    %dma_wait3A_568 = arith.constant 0 : i32
    %dma_wait3A_569 = arith.constant 0 : i32
    %dma_wait3A_570 = tpu.memref_slice %arg4[%add3A_66, %dma_wait3A_568, %dma_wait3A_569] : memref<1024x336x128xf32, #tpu.memory_space<hbm>> -> memref<1x336x128xf32, #tpu.memory_space<hbm>>
    %dma_wait3A_571 = tpu.memref_squeeze %dma_wait3A_570 : memref<1x336x128xf32, #tpu.memory_space<hbm>> -> memref<336x128xf32, #tpu.memory_space<hbm>>
    %dma_wait3A_572 = arith.constant 0 : i32
    %dma_wait3A_573 = tpu.memref_slice %arg5[%squeeze3A_62, %dma_wait3A_572] : memref<504x128xf32, #tpu.memory_space<vmem>> -> memref<336x128xf32, #tpu.memory_space<vmem>>
    tpu.wait_dma2 semaphore(%arg8 : memref<!tpu.dma_semaphore, #tpu.memory_space<semaphore_mem>>) src(%dma_wait3A_573 : memref<336x128xf32, #tpu.memory_space<vmem>>) dst(%dma_wait3A_571 : memref<336x128xf32, #tpu.memory_space<hbm>>)
    %dma_wait3A_574 = arith.constant 0 : i32
    %dma_wait3A_575 = tpu.memref_slice %arg5[%squeeze3A_80, %dma_wait3A_574] : memref<504x128xf32, #tpu.memory_space<vmem>> -> memref<336x128xf32, #tpu.memory_space<vmem>>
    %dma_wait3A_576 = arith.constant 0 : i32
    %dma_wait3A_577 = arith.constant 0 : i32
    %dma_wait3A_578 = tpu.memref_slice %arg4[%add3A_84, %dma_wait3A_576, %dma_wait3A_577] : memref<1024x336x128xf32, #tpu.memory_space<hbm>> -> memref<1x336x128xf32, #tpu.memory_space<hbm>>
    %dma_wait3A_579 = tpu.memref_squeeze %dma_wait3A_578 : memref<1x336x128xf32, #tpu.memory_space<hbm>> -> memref<336x128xf32, #tpu.memory_space<hbm>>
    %dma_wait3A_580 = arith.constant 0 : i32
    %dma_wait3A_581 = arith.constant 0 : i32
    %dma_wait3A_582 = tpu.memref_slice %arg4[%add3A_84, %dma_wait3A_580, %dma_wait3A_581] : memref<1024x336x128xf32, #tpu.memory_space<hbm>> -> memref<1x336x128xf32, #tpu.memory_space<hbm>>
    %dma_wait3A_583 = tpu.memref_squeeze %dma_wait3A_582 : memref<1x336x128xf32, #tpu.memory_space<hbm>> -> memref<336x128xf32, #tpu.memory_space<hbm>>
    %dma_wait3A_584 = arith.constant 0 : i32
    %dma_wait3A_585 = tpu.memref_slice %arg5[%squeeze3A_80, %dma_wait3A_584] : memref<504x128xf32, #tpu.memory_space<vmem>> -> memref<336x128xf32, #tpu.memory_space<vmem>>
    tpu.wait_dma2 semaphore(%arg8 : memref<!tpu.dma_semaphore, #tpu.memory_space<semaphore_mem>>) src(%dma_wait3A_585 : memref<336x128xf32, #tpu.memory_space<vmem>>) dst(%dma_wait3A_583 : memref<336x128xf32, #tpu.memory_space<hbm>>)
    %dma_wait3A_586 = arith.constant 0 : i32
    %dma_wait3A_587 = tpu.memref_slice %arg5[%squeeze3A_98, %dma_wait3A_586] : memref<504x128xf32, #tpu.memory_space<vmem>> -> memref<336x128xf32, #tpu.memory_space<vmem>>
    %dma_wait3A_588 = arith.constant 0 : i32
    %dma_wait3A_589 = arith.constant 0 : i32
    %dma_wait3A_590 = tpu.memref_slice %arg4[%add3A_102, %dma_wait3A_588, %dma_wait3A_589] : memref<1024x336x128xf32, #tpu.memory_space<hbm>> -> memref<1x336x128xf32, #tpu.memory_space<hbm>>
    %dma_wait3A_591 = tpu.memref_squeeze %dma_wait3A_590 : memref<1x336x128xf32, #tpu.memory_space<hbm>> -> memref<336x128xf32, #tpu.memory_space<hbm>>
    %dma_wait3A_592 = arith.constant 0 : i32
    %dma_wait3A_593 = arith.constant 0 : i32
    %dma_wait3A_594 = tpu.memref_slice %arg4[%add3A_102, %dma_wait3A_592, %dma_wait3A_593] : memref<1024x336x128xf32, #tpu.memory_space<hbm>> -> memref<1x336x128xf32, #tpu.memory_space<hbm>>
    %dma_wait3A_595 = tpu.memref_squeeze %dma_wait3A_594 : memref<1x336x128xf32, #tpu.memory_space<hbm>> -> memref<336x128xf32, #tpu.memory_space<hbm>>
    %dma_wait3A_596 = arith.constant 0 : i32
    %dma_wait3A_597 = tpu.memref_slice %arg5[%squeeze3A_98, %dma_wait3A_596] : memref<504x128xf32, #tpu.memory_space<vmem>> -> memref<336x128xf32, #tpu.memory_space<vmem>>
    tpu.wait_dma2 semaphore(%arg8 : memref<!tpu.dma_semaphore, #tpu.memory_space<semaphore_mem>>) src(%dma_wait3A_597 : memref<336x128xf32, #tpu.memory_space<vmem>>) dst(%dma_wait3A_595 : memref<336x128xf32, #tpu.memory_space<hbm>>)
    %dma_wait3A_598 = arith.constant 0 : i32
    %dma_wait3A_599 = tpu.memref_slice %arg5[%squeeze3A_116, %dma_wait3A_598] : memref<504x128xf32, #tpu.memory_space<vmem>> -> memref<336x128xf32, #tpu.memory_space<vmem>>
    %dma_wait3A_600 = arith.constant 0 : i32
    %dma_wait3A_601 = arith.constant 0 : i32
    %dma_wait3A_602 = tpu.memref_slice %arg4[%add3A_120, %dma_wait3A_600, %dma_wait3A_601] : memref<1024x336x128xf32, #tpu.memory_space<hbm>> -> memref<1x336x128xf32, #tpu.memory_space<hbm>>
    %dma_wait3A_603 = tpu.memref_squeeze %dma_wait3A_602 : memref<1x336x128xf32, #tpu.memory_space<hbm>> -> memref<336x128xf32, #tpu.memory_space<hbm>>
    %dma_wait3A_604 = arith.constant 0 : i32
    %dma_wait3A_605 = arith.constant 0 : i32
    %dma_wait3A_606 = tpu.memref_slice %arg4[%add3A_120, %dma_wait3A_604, %dma_wait3A_605] : memref<1024x336x128xf32, #tpu.memory_space<hbm>> -> memref<1x336x128xf32, #tpu.memory_space<hbm>>
    %dma_wait3A_607 = tpu.memref_squeeze %dma_wait3A_606 : memref<1x336x128xf32, #tpu.memory_space<hbm>> -> memref<336x128xf32, #tpu.memory_space<hbm>>
    %dma_wait3A_608 = arith.constant 0 : i32
    %dma_wait3A_609 = tpu.memref_slice %arg5[%squeeze3A_116, %dma_wait3A_608] : memref<504x128xf32, #tpu.memory_space<vmem>> -> memref<336x128xf32, #tpu.memory_space<vmem>>
    tpu.wait_dma2 semaphore(%arg8 : memref<!tpu.dma_semaphore, #tpu.memory_space<semaphore_mem>>) src(%dma_wait3A_609 : memref<336x128xf32, #tpu.memory_space<vmem>>) dst(%dma_wait3A_607 : memref<336x128xf32, #tpu.memory_space<hbm>>)
    %dma_wait3A_610 = arith.constant 0 : i32
    %dma_wait3A_611 = arith.constant 0 : i32
    %dma_wait3A_612 = tpu.memref_slice %arg4[%add3A_138, %dma_wait3A_610, %dma_wait3A_611] : memref<1024x336x128xf32, #tpu.memory_space<hbm>> -> memref<1x336x128xf32, #tpu.memory_space<hbm>>
    %dma_wait3A_613 = tpu.memref_squeeze %dma_wait3A_612 : memref<1x336x128xf32, #tpu.memory_space<hbm>> -> memref<336x128xf32, #tpu.memory_space<hbm>>
    %dma_wait3A_614 = arith.constant 0 : i32
    %dma_wait3A_615 = tpu.memref_slice %arg7[%squeeze3A_134, %dma_wait3A_614] : memref<504x128xf32, #tpu.memory_space<vmem_shared>> -> memref<336x128xf32, #tpu.memory_space<vmem_shared>>
    tpu.wait_dma2 semaphore(%arg8 : memref<!tpu.dma_semaphore, #tpu.memory_space<semaphore_mem>>) src(%dma_wait3A_615 : memref<336x128xf32, #tpu.memory_space<vmem_shared>>) dst(%dma_wait3A_613 : memref<336x128xf32, #tpu.memory_space<hbm>>)
    %dma_wait3A_616 = arith.constant 0 : i32
    %dma_wait3A_617 = arith.constant 0 : i32
    %dma_wait3A_618 = tpu.memref_slice %arg4[%add3A_150, %dma_wait3A_616, %dma_wait3A_617] : memref<1024x336x128xf32, #tpu.memory_space<hbm>> -> memref<1x336x128xf32, #tpu.memory_space<hbm>>
    %dma_wait3A_619 = tpu.memref_squeeze %dma_wait3A_618 : memref<1x336x128xf32, #tpu.memory_space<hbm>> -> memref<336x128xf32, #tpu.memory_space<hbm>>
    %dma_wait3A_620 = arith.constant 0 : i32
    %dma_wait3A_621 = tpu.memref_slice %arg7[%squeeze3A_146, %dma_wait3A_620] : memref<504x128xf32, #tpu.memory_space<vmem_shared>> -> memref<336x128xf32, #tpu.memory_space<vmem_shared>>
    tpu.wait_dma2 semaphore(%arg8 : memref<!tpu.dma_semaphore, #tpu.memory_space<semaphore_mem>>) src(%dma_wait3A_621 : memref<336x128xf32, #tpu.memory_space<vmem_shared>>) dst(%dma_wait3A_619 : memref<336x128xf32, #tpu.memory_space<hbm>>)
    %dma_wait3A_622 = arith.constant 0 : i32
    %dma_wait3A_623 = arith.constant 0 : i32
    %dma_wait3A_624 = tpu.memref_slice %arg4[%add3A_162, %dma_wait3A_622, %dma_wait3A_623] : memref<1024x336x128xf32, #tpu.memory_space<hbm>> -> memref<1x336x128xf32, #tpu.memory_space<hbm>>
    %dma_wait3A_625 = tpu.memref_squeeze %dma_wait3A_624 : memref<1x336x128xf32, #tpu.memory_space<hbm>> -> memref<336x128xf32, #tpu.memory_space<hbm>>
    %dma_wait3A_626 = arith.constant 0 : i32
    %dma_wait3A_627 = tpu.memref_slice %arg7[%squeeze3A_158, %dma_wait3A_626] : memref<504x128xf32, #tpu.memory_space<vmem_shared>> -> memref<336x128xf32, #tpu.memory_space<vmem_shared>>
    tpu.wait_dma2 semaphore(%arg8 : memref<!tpu.dma_semaphore, #tpu.memory_space<semaphore_mem>>) src(%dma_wait3A_627 : memref<336x128xf32, #tpu.memory_space<vmem_shared>>) dst(%dma_wait3A_625 : memref<336x128xf32, #tpu.memory_space<hbm>>)
    %dma_wait3A_628 = arith.constant 0 : i32
    %dma_wait3A_629 = tpu.memref_slice %arg5[%squeeze3A_170, %dma_wait3A_628] : memref<504x128xf32, #tpu.memory_space<vmem>> -> memref<336x128xf32, #tpu.memory_space<vmem>>
    %dma_wait3A_630 = arith.constant 0 : i32
    %dma_wait3A_631 = arith.constant 0 : i32
    %dma_wait3A_632 = tpu.memref_slice %arg4[%add3A_174, %dma_wait3A_630, %dma_wait3A_631] : memref<1024x336x128xf32, #tpu.memory_space<hbm>> -> memref<1x336x128xf32, #tpu.memory_space<hbm>>
    %dma_wait3A_633 = tpu.memref_squeeze %dma_wait3A_632 : memref<1x336x128xf32, #tpu.memory_space<hbm>> -> memref<336x128xf32, #tpu.memory_space<hbm>>
    %dma_wait3A_634 = arith.constant 0 : i32
    %dma_wait3A_635 = arith.constant 0 : i32
    %dma_wait3A_636 = tpu.memref_slice %arg4[%add3A_174, %dma_wait3A_634, %dma_wait3A_635] : memref<1024x336x128xf32, #tpu.memory_space<hbm>> -> memref<1x336x128xf32, #tpu.memory_space<hbm>>
    %dma_wait3A_637 = tpu.memref_squeeze %dma_wait3A_636 : memref<1x336x128xf32, #tpu.memory_space<hbm>> -> memref<336x128xf32, #tpu.memory_space<hbm>>
    %dma_wait3A_638 = arith.constant 0 : i32
    %dma_wait3A_639 = tpu.memref_slice %arg5[%squeeze3A_170, %dma_wait3A_638] : memref<504x128xf32, #tpu.memory_space<vmem>> -> memref<336x128xf32, #tpu.memory_space<vmem>>
    tpu.wait_dma2 semaphore(%arg8 : memref<!tpu.dma_semaphore, #tpu.memory_space<semaphore_mem>>) src(%dma_wait3A_639 : memref<336x128xf32, #tpu.memory_space<vmem>>) dst(%dma_wait3A_637 : memref<336x128xf32, #tpu.memory_space<hbm>>)
    %dma_wait3A_640 = arith.constant 0 : i32
    %dma_wait3A_641 = tpu.memref_slice %arg5[%squeeze3A_188, %dma_wait3A_640] : memref<504x128xf32, #tpu.memory_space<vmem>> -> memref<336x128xf32, #tpu.memory_space<vmem>>
    %dma_wait3A_642 = arith.constant 0 : i32
    %dma_wait3A_643 = arith.constant 0 : i32
    %dma_wait3A_644 = tpu.memref_slice %arg4[%add3A_192, %dma_wait3A_642, %dma_wait3A_643] : memref<1024x336x128xf32, #tpu.memory_space<hbm>> -> memref<1x336x128xf32, #tpu.memory_space<hbm>>
    %dma_wait3A_645 = tpu.memref_squeeze %dma_wait3A_644 : memref<1x336x128xf32, #tpu.memory_space<hbm>> -> memref<336x128xf32, #tpu.memory_space<hbm>>
    %dma_wait3A_646 = arith.constant 0 : i32
    %dma_wait3A_647 = arith.constant 0 : i32
    %dma_wait3A_648 = tpu.memref_slice %arg4[%add3A_192, %dma_wait3A_646, %dma_wait3A_647] : memref<1024x336x128xf32, #tpu.memory_space<hbm>> -> memref<1x336x128xf32, #tpu.memory_space<hbm>>
    %dma_wait3A_649 = tpu.memref_squeeze %dma_wait3A_648 : memref<1x336x128xf32, #tpu.memory_space<hbm>> -> memref<336x128xf32, #tpu.memory_space<hbm>>
    %dma_wait3A_650 = arith.constant 0 : i32
    %dma_wait3A_651 = tpu.memref_slice %arg5[%squeeze3A_188, %dma_wait3A_650] : memref<504x128xf32, #tpu.memory_space<vmem>> -> memref<336x128xf32, #tpu.memory_space<vmem>>
    tpu.wait_dma2 semaphore(%arg8 : memref<!tpu.dma_semaphore, #tpu.memory_space<semaphore_mem>>) src(%dma_wait3A_651 : memref<336x128xf32, #tpu.memory_space<vmem>>) dst(%dma_wait3A_649 : memref<336x128xf32, #tpu.memory_space<hbm>>)
    %dma_wait3A_652 = arith.constant 0 : i32
    %dma_wait3A_653 = tpu.memref_slice %arg5[%squeeze3A_206, %dma_wait3A_652] : memref<504x128xf32, #tpu.memory_space<vmem>> -> memref<336x128xf32, #tpu.memory_space<vmem>>
    %dma_wait3A_654 = arith.constant 0 : i32
    %dma_wait3A_655 = arith.constant 0 : i32
    %dma_wait3A_656 = tpu.memref_slice %arg4[%add3A_210, %dma_wait3A_654, %dma_wait3A_655] : memref<1024x336x128xf32, #tpu.memory_space<hbm>> -> memref<1x336x128xf32, #tpu.memory_space<hbm>>
    %dma_wait3A_657 = tpu.memref_squeeze %dma_wait3A_656 : memref<1x336x128xf32, #tpu.memory_space<hbm>> -> memref<336x128xf32, #tpu.memory_space<hbm>>
    %dma_wait3A_658 = arith.constant 0 : i32
    %dma_wait3A_659 = arith.constant 0 : i32
    %dma_wait3A_660 = tpu.memref_slice %arg4[%add3A_210, %dma_wait3A_658, %dma_wait3A_659] : memref<1024x336x128xf32, #tpu.memory_space<hbm>> -> memref<1x336x128xf32, #tpu.memory_space<hbm>>
    %dma_wait3A_661 = tpu.memref_squeeze %dma_wait3A_660 : memref<1x336x128xf32, #tpu.memory_space<hbm>> -> memref<336x128xf32, #tpu.memory_space<hbm>>
    %dma_wait3A_662 = arith.constant 0 : i32
    %dma_wait3A_663 = tpu.memref_slice %arg5[%squeeze3A_206, %dma_wait3A_662] : memref<504x128xf32, #tpu.memory_space<vmem>> -> memref<336x128xf32, #tpu.memory_space<vmem>>
    tpu.wait_dma2 semaphore(%arg8 : memref<!tpu.dma_semaphore, #tpu.memory_space<semaphore_mem>>) src(%dma_wait3A_663 : memref<336x128xf32, #tpu.memory_space<vmem>>) dst(%dma_wait3A_661 : memref<336x128xf32, #tpu.memory_space<hbm>>)
    %dma_wait3A_664 = arith.constant 0 : i32
    %dma_wait3A_665 = tpu.memref_slice %arg5[%squeeze3A_224, %dma_wait3A_664] : memref<504x128xf32, #tpu.memory_space<vmem>> -> memref<336x128xf32, #tpu.memory_space<vmem>>
    %dma_wait3A_666 = arith.constant 0 : i32
    %dma_wait3A_667 = arith.constant 0 : i32
    %dma_wait3A_668 = tpu.memref_slice %arg4[%add3A_228, %dma_wait3A_666, %dma_wait3A_667] : memref<1024x336x128xf32, #tpu.memory_space<hbm>> -> memref<1x336x128xf32, #tpu.memory_space<hbm>>
    %dma_wait3A_669 = tpu.memref_squeeze %dma_wait3A_668 : memref<1x336x128xf32, #tpu.memory_space<hbm>> -> memref<336x128xf32, #tpu.memory_space<hbm>>
    %dma_wait3A_670 = arith.constant 0 : i32
    %dma_wait3A_671 = arith.constant 0 : i32
    %dma_wait3A_672 = tpu.memref_slice %arg4[%add3A_228, %dma_wait3A_670, %dma_wait3A_671] : memref<1024x336x128xf32, #tpu.memory_space<hbm>> -> memref<1x336x128xf32, #tpu.memory_space<hbm>>
    %dma_wait3A_673 = tpu.memref_squeeze %dma_wait3A_672 : memref<1x336x128xf32, #tpu.memory_space<hbm>> -> memref<336x128xf32, #tpu.memory_space<hbm>>
    %dma_wait3A_674 = arith.constant 0 : i32
    %dma_wait3A_675 = tpu.memref_slice %arg5[%squeeze3A_224, %dma_wait3A_674] : memref<504x128xf32, #tpu.memory_space<vmem>> -> memref<336x128xf32, #tpu.memory_space<vmem>>
    tpu.wait_dma2 semaphore(%arg8 : memref<!tpu.dma_semaphore, #tpu.memory_space<semaphore_mem>>) src(%dma_wait3A_675 : memref<336x128xf32, #tpu.memory_space<vmem>>) dst(%dma_wait3A_673 : memref<336x128xf32, #tpu.memory_space<hbm>>)
    %dma_wait3A_676 = arith.constant 0 : i32
    %dma_wait3A_677 = tpu.memref_slice %arg5[%squeeze3A_242, %dma_wait3A_676] : memref<504x128xf32, #tpu.memory_space<vmem>> -> memref<336x128xf32, #tpu.memory_space<vmem>>
    %dma_wait3A_678 = arith.constant 0 : i32
    %dma_wait3A_679 = arith.constant 0 : i32
    %dma_wait3A_680 = tpu.memref_slice %arg4[%add3A_246, %dma_wait3A_678, %dma_wait3A_679] : memref<1024x336x128xf32, #tpu.memory_space<hbm>> -> memref<1x336x128xf32, #tpu.memory_space<hbm>>
    %dma_wait3A_681 = tpu.memref_squeeze %dma_wait3A_680 : memref<1x336x128xf32, #tpu.memory_space<hbm>> -> memref<336x128xf32, #tpu.memory_space<hbm>>
    %dma_wait3A_682 = arith.constant 0 : i32
    %dma_wait3A_683 = arith.constant 0 : i32
    %dma_wait3A_684 = tpu.memref_slice %arg4[%add3A_246, %dma_wait3A_682, %dma_wait3A_683] : memref<1024x336x128xf32, #tpu.memory_space<hbm>> -> memref<1x336x128xf32, #tpu.memory_space<hbm>>
    %dma_wait3A_685 = tpu.memref_squeeze %dma_wait3A_684 : memref<1x336x128xf32, #tpu.memory_space<hbm>> -> memref<336x128xf32, #tpu.memory_space<hbm>>
    %dma_wait3A_686 = arith.constant 0 : i32
    %dma_wait3A_687 = tpu.memref_slice %arg5[%squeeze3A_242, %dma_wait3A_686] : memref<504x128xf32, #tpu.memory_space<vmem>> -> memref<336x128xf32, #tpu.memory_space<vmem>>
    tpu.wait_dma2 semaphore(%arg8 : memref<!tpu.dma_semaphore, #tpu.memory_space<semaphore_mem>>) src(%dma_wait3A_687 : memref<336x128xf32, #tpu.memory_space<vmem>>) dst(%dma_wait3A_685 : memref<336x128xf32, #tpu.memory_space<hbm>>)
    %dma_wait3A_688 = arith.constant 0 : i32
    %dma_wait3A_689 = arith.constant 0 : i32
    %dma_wait3A_690 = tpu.memref_slice %arg4[%add3A_264, %dma_wait3A_688, %dma_wait3A_689] : memref<1024x336x128xf32, #tpu.memory_space<hbm>> -> memref<1x336x128xf32, #tpu.memory_space<hbm>>
    %dma_wait3A_691 = tpu.memref_squeeze %dma_wait3A_690 : memref<1x336x128xf32, #tpu.memory_space<hbm>> -> memref<336x128xf32, #tpu.memory_space<hbm>>
    %dma_wait3A_692 = arith.constant 0 : i32
    %dma_wait3A_693 = tpu.memref_slice %arg7[%squeeze3A_260, %dma_wait3A_692] : memref<504x128xf32, #tpu.memory_space<vmem_shared>> -> memref<336x128xf32, #tpu.memory_space<vmem_shared>>
    tpu.wait_dma2 semaphore(%arg8 : memref<!tpu.dma_semaphore, #tpu.memory_space<semaphore_mem>>) src(%dma_wait3A_693 : memref<336x128xf32, #tpu.memory_space<vmem_shared>>) dst(%dma_wait3A_691 : memref<336x128xf32, #tpu.memory_space<hbm>>)
    %dma_wait3A_694 = arith.constant 0 : i32
    %dma_wait3A_695 = arith.constant 0 : i32
    %dma_wait3A_696 = tpu.memref_slice %arg4[%add3A_276, %dma_wait3A_694, %dma_wait3A_695] : memref<1024x336x128xf32, #tpu.memory_space<hbm>> -> memref<1x336x128xf32, #tpu.memory_space<hbm>>
    %dma_wait3A_697 = tpu.memref_squeeze %dma_wait3A_696 : memref<1x336x128xf32, #tpu.memory_space<hbm>> -> memref<336x128xf32, #tpu.memory_space<hbm>>
    %dma_wait3A_698 = arith.constant 0 : i32
    %dma_wait3A_699 = tpu.memref_slice %arg7[%squeeze3A_272, %dma_wait3A_698] : memref<504x128xf32, #tpu.memory_space<vmem_shared>> -> memref<336x128xf32, #tpu.memory_space<vmem_shared>>
    tpu.wait_dma2 semaphore(%arg8 : memref<!tpu.dma_semaphore, #tpu.memory_space<semaphore_mem>>) src(%dma_wait3A_699 : memref<336x128xf32, #tpu.memory_space<vmem_shared>>) dst(%dma_wait3A_697 : memref<336x128xf32, #tpu.memory_space<hbm>>)
    %dma_wait3A_700 = arith.constant 0 : i32
    %dma_wait3A_701 = arith.constant 0 : i32
    %dma_wait3A_702 = tpu.memref_slice %arg4[%add3A_288, %dma_wait3A_700, %dma_wait3A_701] : memref<1024x336x128xf32, #tpu.memory_space<hbm>> -> memref<1x336x128xf32, #tpu.memory_space<hbm>>
    %dma_wait3A_703 = tpu.memref_squeeze %dma_wait3A_702 : memref<1x336x128xf32, #tpu.memory_space<hbm>> -> memref<336x128xf32, #tpu.memory_space<hbm>>
    %dma_wait3A_704 = arith.constant 0 : i32
    %dma_wait3A_705 = tpu.memref_slice %arg7[%squeeze3A_284, %dma_wait3A_704] : memref<504x128xf32, #tpu.memory_space<vmem_shared>> -> memref<336x128xf32, #tpu.memory_space<vmem_shared>>
    tpu.wait_dma2 semaphore(%arg8 : memref<!tpu.dma_semaphore, #tpu.memory_space<semaphore_mem>>) src(%dma_wait3A_705 : memref<336x128xf32, #tpu.memory_space<vmem_shared>>) dst(%dma_wait3A_703 : memref<336x128xf32, #tpu.memory_space<hbm>>)
    %dma_wait3A_706 = arith.constant 0 : i32
    %dma_wait3A_707 = tpu.memref_slice %arg5[%squeeze3A_299, %dma_wait3A_706] : memref<504x128xf32, #tpu.memory_space<vmem>> -> memref<336x128xf32, #tpu.memory_space<vmem>>
    %dma_wait3A_708 = arith.constant 0 : i32
    %dma_wait3A_709 = arith.constant 0 : i32
    %dma_wait3A_710 = tpu.memref_slice %arg4[%add3A_303, %dma_wait3A_708, %dma_wait3A_709] : memref<1024x336x128xf32, #tpu.memory_space<hbm>> -> memref<1x336x128xf32, #tpu.memory_space<hbm>>
    %dma_wait3A_711 = tpu.memref_squeeze %dma_wait3A_710 : memref<1x336x128xf32, #tpu.memory_space<hbm>> -> memref<336x128xf32, #tpu.memory_space<hbm>>
    %dma_wait3A_712 = arith.constant 0 : i32
    %dma_wait3A_713 = arith.constant 0 : i32
    %dma_wait3A_714 = tpu.memref_slice %arg4[%add3A_303, %dma_wait3A_712, %dma_wait3A_713] : memref<1024x336x128xf32, #tpu.memory_space<hbm>> -> memref<1x336x128xf32, #tpu.memory_space<hbm>>
    %dma_wait3A_715 = tpu.memref_squeeze %dma_wait3A_714 : memref<1x336x128xf32, #tpu.memory_space<hbm>> -> memref<336x128xf32, #tpu.memory_space<hbm>>
    %dma_wait3A_716 = arith.constant 0 : i32
    %dma_wait3A_717 = tpu.memref_slice %arg5[%squeeze3A_299, %dma_wait3A_716] : memref<504x128xf32, #tpu.memory_space<vmem>> -> memref<336x128xf32, #tpu.memory_space<vmem>>
    tpu.wait_dma2 semaphore(%arg8 : memref<!tpu.dma_semaphore, #tpu.memory_space<semaphore_mem>>) src(%dma_wait3A_717 : memref<336x128xf32, #tpu.memory_space<vmem>>) dst(%dma_wait3A_715 : memref<336x128xf32, #tpu.memory_space<hbm>>)
    %dma_wait3A_718 = arith.constant 0 : i32
    %dma_wait3A_719 = tpu.memref_slice %arg5[%squeeze3A_317, %dma_wait3A_718] : memref<504x128xf32, #tpu.memory_space<vmem>> -> memref<336x128xf32, #tpu.memory_space<vmem>>
    %dma_wait3A_720 = arith.constant 0 : i32
    %dma_wait3A_721 = arith.constant 0 : i32
    %dma_wait3A_722 = tpu.memref_slice %arg4[%add3A_321, %dma_wait3A_720, %dma_wait3A_721] : memref<1024x336x128xf32, #tpu.memory_space<hbm>> -> memref<1x336x128xf32, #tpu.memory_space<hbm>>
    %dma_wait3A_723 = tpu.memref_squeeze %dma_wait3A_722 : memref<1x336x128xf32, #tpu.memory_space<hbm>> -> memref<336x128xf32, #tpu.memory_space<hbm>>
    %dma_wait3A_724 = arith.constant 0 : i32
    %dma_wait3A_725 = arith.constant 0 : i32
    %dma_wait3A_726 = tpu.memref_slice %arg4[%add3A_321, %dma_wait3A_724, %dma_wait3A_725] : memref<1024x336x128xf32, #tpu.memory_space<hbm>> -> memref<1x336x128xf32, #tpu.memory_space<hbm>>
    %dma_wait3A_727 = tpu.memref_squeeze %dma_wait3A_726 : memref<1x336x128xf32, #tpu.memory_space<hbm>> -> memref<336x128xf32, #tpu.memory_space<hbm>>
    %dma_wait3A_728 = arith.constant 0 : i32
    %dma_wait3A_729 = tpu.memref_slice %arg5[%squeeze3A_317, %dma_wait3A_728] : memref<504x128xf32, #tpu.memory_space<vmem>> -> memref<336x128xf32, #tpu.memory_space<vmem>>
    tpu.wait_dma2 semaphore(%arg8 : memref<!tpu.dma_semaphore, #tpu.memory_space<semaphore_mem>>) src(%dma_wait3A_729 : memref<336x128xf32, #tpu.memory_space<vmem>>) dst(%dma_wait3A_727 : memref<336x128xf32, #tpu.memory_space<hbm>>)
    %dma_wait3A_730 = arith.constant 0 : i32
    %dma_wait3A_731 = tpu.memref_slice %arg5[%squeeze3A_335, %dma_wait3A_730] : memref<504x128xf32, #tpu.memory_space<vmem>> -> memref<336x128xf32, #tpu.memory_space<vmem>>
    %dma_wait3A_732 = arith.constant 0 : i32
    %dma_wait3A_733 = arith.constant 0 : i32
    %dma_wait3A_734 = tpu.memref_slice %arg4[%add3A_339, %dma_wait3A_732, %dma_wait3A_733] : memref<1024x336x128xf32, #tpu.memory_space<hbm>> -> memref<1x336x128xf32, #tpu.memory_space<hbm>>
    %dma_wait3A_735 = tpu.memref_squeeze %dma_wait3A_734 : memref<1x336x128xf32, #tpu.memory_space<hbm>> -> memref<336x128xf32, #tpu.memory_space<hbm>>
    %dma_wait3A_736 = arith.constant 0 : i32
    %dma_wait3A_737 = arith.constant 0 : i32
    %dma_wait3A_738 = tpu.memref_slice %arg4[%add3A_339, %dma_wait3A_736, %dma_wait3A_737] : memref<1024x336x128xf32, #tpu.memory_space<hbm>> -> memref<1x336x128xf32, #tpu.memory_space<hbm>>
    %dma_wait3A_739 = tpu.memref_squeeze %dma_wait3A_738 : memref<1x336x128xf32, #tpu.memory_space<hbm>> -> memref<336x128xf32, #tpu.memory_space<hbm>>
    %dma_wait3A_740 = arith.constant 0 : i32
    %dma_wait3A_741 = tpu.memref_slice %arg5[%squeeze3A_335, %dma_wait3A_740] : memref<504x128xf32, #tpu.memory_space<vmem>> -> memref<336x128xf32, #tpu.memory_space<vmem>>
    tpu.wait_dma2 semaphore(%arg8 : memref<!tpu.dma_semaphore, #tpu.memory_space<semaphore_mem>>) src(%dma_wait3A_741 : memref<336x128xf32, #tpu.memory_space<vmem>>) dst(%dma_wait3A_739 : memref<336x128xf32, #tpu.memory_space<hbm>>)
    %dma_wait3A_742 = arith.constant 0 : i32
    %dma_wait3A_743 = tpu.memref_slice %arg5[%squeeze3A_353, %dma_wait3A_742] : memref<504x128xf32, #tpu.memory_space<vmem>> -> memref<336x128xf32, #tpu.memory_space<vmem>>
    %dma_wait3A_744 = arith.constant 0 : i32
    %dma_wait3A_745 = arith.constant 0 : i32
    %dma_wait3A_746 = tpu.memref_slice %arg4[%add3A_357, %dma_wait3A_744, %dma_wait3A_745] : memref<1024x336x128xf32, #tpu.memory_space<hbm>> -> memref<1x336x128xf32, #tpu.memory_space<hbm>>
    %dma_wait3A_747 = tpu.memref_squeeze %dma_wait3A_746 : memref<1x336x128xf32, #tpu.memory_space<hbm>> -> memref<336x128xf32, #tpu.memory_space<hbm>>
    %dma_wait3A_748 = arith.constant 0 : i32
    %dma_wait3A_749 = arith.constant 0 : i32
    %dma_wait3A_750 = tpu.memref_slice %arg4[%add3A_357, %dma_wait3A_748, %dma_wait3A_749] : memref<1024x336x128xf32, #tpu.memory_space<hbm>> -> memref<1x336x128xf32, #tpu.memory_space<hbm>>
    %dma_wait3A_751 = tpu.memref_squeeze %dma_wait3A_750 : memref<1x336x128xf32, #tpu.memory_space<hbm>> -> memref<336x128xf32, #tpu.memory_space<hbm>>
    %dma_wait3A_752 = arith.constant 0 : i32
    %dma_wait3A_753 = tpu.memref_slice %arg5[%squeeze3A_353, %dma_wait3A_752] : memref<504x128xf32, #tpu.memory_space<vmem>> -> memref<336x128xf32, #tpu.memory_space<vmem>>
    tpu.wait_dma2 semaphore(%arg8 : memref<!tpu.dma_semaphore, #tpu.memory_space<semaphore_mem>>) src(%dma_wait3A_753 : memref<336x128xf32, #tpu.memory_space<vmem>>) dst(%dma_wait3A_751 : memref<336x128xf32, #tpu.memory_space<hbm>>)
    %dma_wait3A_754 = arith.constant 0 : i32
    %dma_wait3A_755 = tpu.memref_slice %arg5[%squeeze3A_371, %dma_wait3A_754] : memref<504x128xf32, #tpu.memory_space<vmem>> -> memref<336x128xf32, #tpu.memory_space<vmem>>
    %dma_wait3A_756 = arith.constant 0 : i32
    %dma_wait3A_757 = arith.constant 0 : i32
    %dma_wait3A_758 = tpu.memref_slice %arg4[%add3A_375, %dma_wait3A_756, %dma_wait3A_757] : memref<1024x336x128xf32, #tpu.memory_space<hbm>> -> memref<1x336x128xf32, #tpu.memory_space<hbm>>
    %dma_wait3A_759 = tpu.memref_squeeze %dma_wait3A_758 : memref<1x336x128xf32, #tpu.memory_space<hbm>> -> memref<336x128xf32, #tpu.memory_space<hbm>>
    %dma_wait3A_760 = arith.constant 0 : i32
    %dma_wait3A_761 = arith.constant 0 : i32
    %dma_wait3A_762 = tpu.memref_slice %arg4[%add3A_375, %dma_wait3A_760, %dma_wait3A_761] : memref<1024x336x128xf32, #tpu.memory_space<hbm>> -> memref<1x336x128xf32, #tpu.memory_space<hbm>>
    %dma_wait3A_763 = tpu.memref_squeeze %dma_wait3A_762 : memref<1x336x128xf32, #tpu.memory_space<hbm>> -> memref<336x128xf32, #tpu.memory_space<hbm>>
    %dma_wait3A_764 = arith.constant 0 : i32
    %dma_wait3A_765 = tpu.memref_slice %arg5[%squeeze3A_371, %dma_wait3A_764] : memref<504x128xf32, #tpu.memory_space<vmem>> -> memref<336x128xf32, #tpu.memory_space<vmem>>
    tpu.wait_dma2 semaphore(%arg8 : memref<!tpu.dma_semaphore, #tpu.memory_space<semaphore_mem>>) src(%dma_wait3A_765 : memref<336x128xf32, #tpu.memory_space<vmem>>) dst(%dma_wait3A_763 : memref<336x128xf32, #tpu.memory_space<hbm>>)
    %dma_wait3A_766 = arith.constant 0 : i32
    %dma_wait3A_767 = arith.constant 0 : i32
    %dma_wait3A_768 = tpu.memref_slice %arg4[%add3A_393, %dma_wait3A_766, %dma_wait3A_767] : memref<1024x336x128xf32, #tpu.memory_space<hbm>> -> memref<1x336x128xf32, #tpu.memory_space<hbm>>
    %dma_wait3A_769 = tpu.memref_squeeze %dma_wait3A_768 : memref<1x336x128xf32, #tpu.memory_space<hbm>> -> memref<336x128xf32, #tpu.memory_space<hbm>>
    %dma_wait3A_770 = arith.constant 0 : i32
    %dma_wait3A_771 = tpu.memref_slice %arg7[%squeeze3A_389, %dma_wait3A_770] : memref<504x128xf32, #tpu.memory_space<vmem_shared>> -> memref<336x128xf32, #tpu.memory_space<vmem_shared>>
    tpu.wait_dma2 semaphore(%arg8 : memref<!tpu.dma_semaphore, #tpu.memory_space<semaphore_mem>>) src(%dma_wait3A_771 : memref<336x128xf32, #tpu.memory_space<vmem_shared>>) dst(%dma_wait3A_769 : memref<336x128xf32, #tpu.memory_space<hbm>>)
    %dma_wait3A_772 = arith.constant 0 : i32
    %dma_wait3A_773 = arith.constant 0 : i32
    %dma_wait3A_774 = tpu.memref_slice %arg4[%add3A_405, %dma_wait3A_772, %dma_wait3A_773] : memref<1024x336x128xf32, #tpu.memory_space<hbm>> -> memref<1x336x128xf32, #tpu.memory_space<hbm>>
    %dma_wait3A_775 = tpu.memref_squeeze %dma_wait3A_774 : memref<1x336x128xf32, #tpu.memory_space<hbm>> -> memref<336x128xf32, #tpu.memory_space<hbm>>
    %dma_wait3A_776 = arith.constant 0 : i32
    %dma_wait3A_777 = tpu.memref_slice %arg7[%squeeze3A_401, %dma_wait3A_776] : memref<504x128xf32, #tpu.memory_space<vmem_shared>> -> memref<336x128xf32, #tpu.memory_space<vmem_shared>>
    tpu.wait_dma2 semaphore(%arg8 : memref<!tpu.dma_semaphore, #tpu.memory_space<semaphore_mem>>) src(%dma_wait3A_777 : memref<336x128xf32, #tpu.memory_space<vmem_shared>>) dst(%dma_wait3A_775 : memref<336x128xf32, #tpu.memory_space<hbm>>)
    %dma_wait3A_778 = arith.constant 0 : i32
    %dma_wait3A_779 = arith.constant 0 : i32
    %dma_wait3A_780 = tpu.memref_slice %arg4[%add3A_417, %dma_wait3A_778, %dma_wait3A_779] : memref<1024x336x128xf32, #tpu.memory_space<hbm>> -> memref<1x336x128xf32, #tpu.memory_space<hbm>>
    %dma_wait3A_781 = tpu.memref_squeeze %dma_wait3A_780 : memref<1x336x128xf32, #tpu.memory_space<hbm>> -> memref<336x128xf32, #tpu.memory_space<hbm>>
    %dma_wait3A_782 = arith.constant 0 : i32
    %dma_wait3A_783 = tpu.memref_slice %arg7[%squeeze3A_413, %dma_wait3A_782] : memref<504x128xf32, #tpu.memory_space<vmem_shared>> -> memref<336x128xf32, #tpu.memory_space<vmem_shared>>
    tpu.wait_dma2 semaphore(%arg8 : memref<!tpu.dma_semaphore, #tpu.memory_space<semaphore_mem>>) src(%dma_wait3A_783 : memref<336x128xf32, #tpu.memory_space<vmem_shared>>) dst(%dma_wait3A_781 : memref<336x128xf32, #tpu.memory_space<hbm>>)
    %dma_wait3A_784 = arith.constant 0 : i32
    %dma_wait3A_785 = tpu.memref_slice %arg5[%squeeze3A_425, %dma_wait3A_784] : memref<504x128xf32, #tpu.memory_space<vmem>> -> memref<336x128xf32, #tpu.memory_space<vmem>>
    %dma_wait3A_786 = arith.constant 0 : i32
    %dma_wait3A_787 = arith.constant 0 : i32
    %dma_wait3A_788 = tpu.memref_slice %arg4[%add3A_429, %dma_wait3A_786, %dma_wait3A_787] : memref<1024x336x128xf32, #tpu.memory_space<hbm>> -> memref<1x336x128xf32, #tpu.memory_space<hbm>>
    %dma_wait3A_789 = tpu.memref_squeeze %dma_wait3A_788 : memref<1x336x128xf32, #tpu.memory_space<hbm>> -> memref<336x128xf32, #tpu.memory_space<hbm>>
    %dma_wait3A_790 = arith.constant 0 : i32
    %dma_wait3A_791 = arith.constant 0 : i32
    %dma_wait3A_792 = tpu.memref_slice %arg4[%add3A_429, %dma_wait3A_790, %dma_wait3A_791] : memref<1024x336x128xf32, #tpu.memory_space<hbm>> -> memref<1x336x128xf32, #tpu.memory_space<hbm>>
    %dma_wait3A_793 = tpu.memref_squeeze %dma_wait3A_792 : memref<1x336x128xf32, #tpu.memory_space<hbm>> -> memref<336x128xf32, #tpu.memory_space<hbm>>
    %dma_wait3A_794 = arith.constant 0 : i32
    %dma_wait3A_795 = tpu.memref_slice %arg5[%squeeze3A_425, %dma_wait3A_794] : memref<504x128xf32, #tpu.memory_space<vmem>> -> memref<336x128xf32, #tpu.memory_space<vmem>>
    tpu.wait_dma2 semaphore(%arg8 : memref<!tpu.dma_semaphore, #tpu.memory_space<semaphore_mem>>) src(%dma_wait3A_795 : memref<336x128xf32, #tpu.memory_space<vmem>>) dst(%dma_wait3A_793 : memref<336x128xf32, #tpu.memory_space<hbm>>)
    %dma_wait3A_796 = arith.constant 0 : i32
    %dma_wait3A_797 = tpu.memref_slice %arg5[%squeeze3A_443, %dma_wait3A_796] : memref<504x128xf32, #tpu.memory_space<vmem>> -> memref<336x128xf32, #tpu.memory_space<vmem>>
    %dma_wait3A_798 = arith.constant 0 : i32
    %dma_wait3A_799 = arith.constant 0 : i32
    %dma_wait3A_800 = tpu.memref_slice %arg4[%add3A_447, %dma_wait3A_798, %dma_wait3A_799] : memref<1024x336x128xf32, #tpu.memory_space<hbm>> -> memref<1x336x128xf32, #tpu.memory_space<hbm>>
    %dma_wait3A_801 = tpu.memref_squeeze %dma_wait3A_800 : memref<1x336x128xf32, #tpu.memory_space<hbm>> -> memref<336x128xf32, #tpu.memory_space<hbm>>
    %dma_wait3A_802 = arith.constant 0 : i32
    %dma_wait3A_803 = arith.constant 0 : i32
    %dma_wait3A_804 = tpu.memref_slice %arg4[%add3A_447, %dma_wait3A_802, %dma_wait3A_803] : memref<1024x336x128xf32, #tpu.memory_space<hbm>> -> memref<1x336x128xf32, #tpu.memory_space<hbm>>
    %dma_wait3A_805 = tpu.memref_squeeze %dma_wait3A_804 : memref<1x336x128xf32, #tpu.memory_space<hbm>> -> memref<336x128xf32, #tpu.memory_space<hbm>>
    %dma_wait3A_806 = arith.constant 0 : i32
    %dma_wait3A_807 = tpu.memref_slice %arg5[%squeeze3A_443, %dma_wait3A_806] : memref<504x128xf32, #tpu.memory_space<vmem>> -> memref<336x128xf32, #tpu.memory_space<vmem>>
    tpu.wait_dma2 semaphore(%arg8 : memref<!tpu.dma_semaphore, #tpu.memory_space<semaphore_mem>>) src(%dma_wait3A_807 : memref<336x128xf32, #tpu.memory_space<vmem>>) dst(%dma_wait3A_805 : memref<336x128xf32, #tpu.memory_space<hbm>>)
    %dma_wait3A_808 = arith.constant 0 : i32
    %dma_wait3A_809 = tpu.memref_slice %arg5[%squeeze3A_461, %dma_wait3A_808] : memref<504x128xf32, #tpu.memory_space<vmem>> -> memref<336x128xf32, #tpu.memory_space<vmem>>
    %dma_wait3A_810 = arith.constant 0 : i32
    %dma_wait3A_811 = arith.constant 0 : i32
    %dma_wait3A_812 = tpu.memref_slice %arg4[%add3A_465, %dma_wait3A_810, %dma_wait3A_811] : memref<1024x336x128xf32, #tpu.memory_space<hbm>> -> memref<1x336x128xf32, #tpu.memory_space<hbm>>
    %dma_wait3A_813 = tpu.memref_squeeze %dma_wait3A_812 : memref<1x336x128xf32, #tpu.memory_space<hbm>> -> memref<336x128xf32, #tpu.memory_space<hbm>>
    %dma_wait3A_814 = arith.constant 0 : i32
    %dma_wait3A_815 = arith.constant 0 : i32
    %dma_wait3A_816 = tpu.memref_slice %arg4[%add3A_465, %dma_wait3A_814, %dma_wait3A_815] : memref<1024x336x128xf32, #tpu.memory_space<hbm>> -> memref<1x336x128xf32, #tpu.memory_space<hbm>>
    %dma_wait3A_817 = tpu.memref_squeeze %dma_wait3A_816 : memref<1x336x128xf32, #tpu.memory_space<hbm>> -> memref<336x128xf32, #tpu.memory_space<hbm>>
    %dma_wait3A_818 = arith.constant 0 : i32
    %dma_wait3A_819 = tpu.memref_slice %arg5[%squeeze3A_461, %dma_wait3A_818] : memref<504x128xf32, #tpu.memory_space<vmem>> -> memref<336x128xf32, #tpu.memory_space<vmem>>
    tpu.wait_dma2 semaphore(%arg8 : memref<!tpu.dma_semaphore, #tpu.memory_space<semaphore_mem>>) src(%dma_wait3A_819 : memref<336x128xf32, #tpu.memory_space<vmem>>) dst(%dma_wait3A_817 : memref<336x128xf32, #tpu.memory_space<hbm>>)
    %dma_wait3A_820 = arith.constant 0 : i32
    %dma_wait3A_821 = tpu.memref_slice %arg5[%squeeze3A_479, %dma_wait3A_820] : memref<504x128xf32, #tpu.memory_space<vmem>> -> memref<336x128xf32, #tpu.memory_space<vmem>>
    %dma_wait3A_822 = arith.constant 0 : i32
    %dma_wait3A_823 = arith.constant 0 : i32
    %dma_wait3A_824 = tpu.memref_slice %arg4[%add3A_483, %dma_wait3A_822, %dma_wait3A_823] : memref<1024x336x128xf32, #tpu.memory_space<hbm>> -> memref<1x336x128xf32, #tpu.memory_space<hbm>>
    %dma_wait3A_825 = tpu.memref_squeeze %dma_wait3A_824 : memref<1x336x128xf32, #tpu.memory_space<hbm>> -> memref<336x128xf32, #tpu.memory_space<hbm>>
    %dma_wait3A_826 = arith.constant 0 : i32
    %dma_wait3A_827 = arith.constant 0 : i32
    %dma_wait3A_828 = tpu.memref_slice %arg4[%add3A_483, %dma_wait3A_826, %dma_wait3A_827] : memref<1024x336x128xf32, #tpu.memory_space<hbm>> -> memref<1x336x128xf32, #tpu.memory_space<hbm>>
    %dma_wait3A_829 = tpu.memref_squeeze %dma_wait3A_828 : memref<1x336x128xf32, #tpu.memory_space<hbm>> -> memref<336x128xf32, #tpu.memory_space<hbm>>
    %dma_wait3A_830 = arith.constant 0 : i32
    %dma_wait3A_831 = tpu.memref_slice %arg5[%squeeze3A_479, %dma_wait3A_830] : memref<504x128xf32, #tpu.memory_space<vmem>> -> memref<336x128xf32, #tpu.memory_space<vmem>>
    tpu.wait_dma2 semaphore(%arg8 : memref<!tpu.dma_semaphore, #tpu.memory_space<semaphore_mem>>) src(%dma_wait3A_831 : memref<336x128xf32, #tpu.memory_space<vmem>>) dst(%dma_wait3A_829 : memref<336x128xf32, #tpu.memory_space<hbm>>)
    %dma_wait3A_832 = arith.constant 0 : i32
    %dma_wait3A_833 = tpu.memref_slice %arg5[%squeeze3A_497, %dma_wait3A_832] : memref<504x128xf32, #tpu.memory_space<vmem>> -> memref<336x128xf32, #tpu.memory_space<vmem>>
    %dma_wait3A_834 = arith.constant 0 : i32
    %dma_wait3A_835 = arith.constant 0 : i32
    %dma_wait3A_836 = tpu.memref_slice %arg4[%add3A_501, %dma_wait3A_834, %dma_wait3A_835] : memref<1024x336x128xf32, #tpu.memory_space<hbm>> -> memref<1x336x128xf32, #tpu.memory_space<hbm>>
    %dma_wait3A_837 = tpu.memref_squeeze %dma_wait3A_836 : memref<1x336x128xf32, #tpu.memory_space<hbm>> -> memref<336x128xf32, #tpu.memory_space<hbm>>
    %dma_wait3A_838 = arith.constant 0 : i32
    %dma_wait3A_839 = arith.constant 0 : i32
    %dma_wait3A_840 = tpu.memref_slice %arg4[%add3A_501, %dma_wait3A_838, %dma_wait3A_839] : memref<1024x336x128xf32, #tpu.memory_space<hbm>> -> memref<1x336x128xf32, #tpu.memory_space<hbm>>
    %dma_wait3A_841 = tpu.memref_squeeze %dma_wait3A_840 : memref<1x336x128xf32, #tpu.memory_space<hbm>> -> memref<336x128xf32, #tpu.memory_space<hbm>>
    %dma_wait3A_842 = arith.constant 0 : i32
    %dma_wait3A_843 = tpu.memref_slice %arg5[%squeeze3A_497, %dma_wait3A_842] : memref<504x128xf32, #tpu.memory_space<vmem>> -> memref<336x128xf32, #tpu.memory_space<vmem>>
    tpu.wait_dma2 semaphore(%arg8 : memref<!tpu.dma_semaphore, #tpu.memory_space<semaphore_mem>>) src(%dma_wait3A_843 : memref<336x128xf32, #tpu.memory_space<vmem>>) dst(%dma_wait3A_841 : memref<336x128xf32, #tpu.memory_space<hbm>>)
    %dma_wait3A_844 = arith.constant 0 : i32
    %dma_wait3A_845 = arith.constant 0 : i32
    %dma_wait3A_846 = tpu.memref_slice %arg4[%add3A_519, %dma_wait3A_844, %dma_wait3A_845] : memref<1024x336x128xf32, #tpu.memory_space<hbm>> -> memref<1x336x128xf32, #tpu.memory_space<hbm>>
    %dma_wait3A_847 = tpu.memref_squeeze %dma_wait3A_846 : memref<1x336x128xf32, #tpu.memory_space<hbm>> -> memref<336x128xf32, #tpu.memory_space<hbm>>
    %dma_wait3A_848 = arith.constant 0 : i32
    %dma_wait3A_849 = tpu.memref_slice %arg7[%squeeze3A_515, %dma_wait3A_848] : memref<504x128xf32, #tpu.memory_space<vmem_shared>> -> memref<336x128xf32, #tpu.memory_space<vmem_shared>>
    tpu.wait_dma2 semaphore(%arg8 : memref<!tpu.dma_semaphore, #tpu.memory_space<semaphore_mem>>) src(%dma_wait3A_849 : memref<336x128xf32, #tpu.memory_space<vmem_shared>>) dst(%dma_wait3A_847 : memref<336x128xf32, #tpu.memory_space<hbm>>)
    %dma_wait3A_850 = arith.constant 0 : i32
    %dma_wait3A_851 = arith.constant 0 : i32
    %dma_wait3A_852 = tpu.memref_slice %arg4[%add3A_531, %dma_wait3A_850, %dma_wait3A_851] : memref<1024x336x128xf32, #tpu.memory_space<hbm>> -> memref<1x336x128xf32, #tpu.memory_space<hbm>>
    %dma_wait3A_853 = tpu.memref_squeeze %dma_wait3A_852 : memref<1x336x128xf32, #tpu.memory_space<hbm>> -> memref<336x128xf32, #tpu.memory_space<hbm>>
    %dma_wait3A_854 = arith.constant 0 : i32
    %dma_wait3A_855 = tpu.memref_slice %arg7[%squeeze3A_527, %dma_wait3A_854] : memref<504x128xf32, #tpu.memory_space<vmem_shared>> -> memref<336x128xf32, #tpu.memory_space<vmem_shared>>
    tpu.wait_dma2 semaphore(%arg8 : memref<!tpu.dma_semaphore, #tpu.memory_space<semaphore_mem>>) src(%dma_wait3A_855 : memref<336x128xf32, #tpu.memory_space<vmem_shared>>) dst(%dma_wait3A_853 : memref<336x128xf32, #tpu.memory_space<hbm>>)
    %dma_wait3A_856 = arith.constant 0 : i32
    %dma_wait3A_857 = arith.constant 0 : i32
    %dma_wait3A_858 = tpu.memref_slice %arg4[%add3A_543, %dma_wait3A_856, %dma_wait3A_857] : memref<1024x336x128xf32, #tpu.memory_space<hbm>> -> memref<1x336x128xf32, #tpu.memory_space<hbm>>
    %dma_wait3A_859 = tpu.memref_squeeze %dma_wait3A_858 : memref<1x336x128xf32, #tpu.memory_space<hbm>> -> memref<336x128xf32, #tpu.memory_space<hbm>>
    %dma_wait3A_860 = arith.constant 0 : i32
    %dma_wait3A_861 = tpu.memref_slice %arg7[%squeeze3A_539, %dma_wait3A_860] : memref<504x128xf32, #tpu.memory_space<vmem_shared>> -> memref<336x128xf32, #tpu.memory_space<vmem_shared>>
    tpu.wait_dma2 semaphore(%arg8 : memref<!tpu.dma_semaphore, #tpu.memory_space<semaphore_mem>>) src(%dma_wait3A_861 : memref<336x128xf32, #tpu.memory_space<vmem_shared>>) dst(%dma_wait3A_859 : memref<336x128xf32, #tpu.memory_space<hbm>>)
    return
  }
}

</mosaic_0001>

<sc_bundles>
// kernel: kernel.3.cloned.1.call-start
scs
__scs_entry_jumppad:
0x0: {  	(pc) =	sbr.rel $0x88, $3  }
0x1: {  	(tag) =	ssettag $0x0;
	lr =	simm.s32 $0x1  }
0x2: {  	[smem:$0x3F9F] =	sst lr;
	_ =	strace $0xD0000000  }
0x3: {  	_ = 	snop  }
0x4: {  	_ = 	snop  }
0x5: {  	_ = 	snop  }
0x6: {  	_ = 	snop  }
0x7: {  	_ = 	snop  }
__scs_overlays_trampoline_lowered:
0x8: {  	[smem:$0x3FAE] =	sst s0  }
0x9: {  	[smem:$0x3FAF] =	sst s1  }
0xa: {  	[smem:$0x3FB0] =	sst s2  }
0xb: {  	[smem:$0x3FB1] =	sst s3  }
0xc: {  	[smem:$0x3FB2] =	sst s4  }
0xd: {  	[smem:$0x3FB3] =	sst s5  }
0xe: {  	[smem:$0x3FB4] =	sst s6  }
0xf: {  	[smem:$0x3FB5] =	sst s7  }
0x10: {  	[smem:$0x3FB6] =	sst s8  }
0x11: {  	[smem:$0x3FB7] =	sst s9;
	s0 =	simm.s32 @!p0 $0x0  }
0x12: {  	s1 =	sld [smem:$0x3F9D];
	s0 =	simm.s32 @p0 $0x1  }
0x13: {  	[smem:$0x3FB8] =	sst s0;
	s0 =	simm.s32 @!p1 $0x0  }
0x14: {  	s2 =	sld [smem:$0x3F9C];
	s0 =	simm.s32 @p1 $0x1  }
0x15: {  	[smem:$0x3FB9] =	sst s0;
	s0 =	simm.s32 @!p2 $0x0  }
0x16: {  	s3 =	sld [smem:$0x3FDB];
	s0 =	simm.s32 @p2 $0x1  }
0x17: {  	s4 =	simm.s32 $0x1BF5;
	[smem:$0x3FBB] =	sst s0  }
0x18: {  	s0 =	sld [smem:$0x3F9E];
	_ =	swait.ge [sflag:s4], $0x0  }
0x19: {  	s7 =	sld [smem:$0x3F9F]  }
0x1a: {  	s8 =	sadd.s32 $0xFFFFE003, lr  }
0x1b: {  	s9 =	sadd.s32 $0xFFFFFEF7, lr;
	s5 =	simm.s32 $0xFFFFFFFF;
	p2 =	slt.u32 s8, $0xFFFFF086  }
0x1c: {  	p1 =	slt.u32 s9, $0xF7A;
	s5 =	simm.s32 @!p2 $0x0  }
0x1d: {  	s5 =	simm.s32 @p1 $0x1;
	p0 =	seq.s32 s7, s2  }
0x1e: {  	s7 =	smul.u32 @!p0 $0xF7A, s2;
	p2 =	seq.s32 @!p0 s5, $0x0  }
0x1f: {  	s9 =	smul.u32 $0xF7A, s1;
	s8 =	simm.s32 @!p0 $0x1BF5;
	p2 =	por !p2, p0  }
0x20: {  	[sflag:s8] =	ssyncset.s32 @!p0 $0xFFFFF086;
	s6 =	sadd.s32 @!p0 s3, s7;
	s7 =	simm.s32 @!p0 $0x108  }
0x21: {  	s3 =	sadd.s32 s3, s9;
	s6 =	sadd.s32 @!p0 $0x88, s6;
	s7 =	simm.s32 @p2 $0x1082  }
0x22: {  	[simem:s7], [sflag:s8] =	dma.local @!p0 [hbm:s6], $0xF7A  }
0x23: {  	s9 =	sor.u32 $0xD0000000, s2;
	s6 =	simm.s32 $0x108;
	_ =	swait.ge @!p0 [sflag:s8], $0x0  }
0x24: {  	s3 =	sadd.s32 $0x88, s3;
	s6 =	simm.s32 @!p1 $0x1082;
	[sflag:s4] =	ssyncset.s32 $0xFFFFF086  }
0x25: {  	[simem:s6], [sflag:s4] =	dma.local [hbm:s3], $0xF7A  }
0x26: {  	[smem:$0x3F9F] =	sst s1;
	(tag) =	ssettag s2;
	_ =	strace s9  }
0x27: {  	s1 =	sld [smem:$0x3FAF]  }
0x28: {  	s2 =	sld [smem:$0x3FB0]  }
0x29: {  	s4 =	sld [smem:$0x3FB2]  }
0x2a: {  	p0 =	seq.s32 s5, $0x0;
	s5 =	sld [smem:$0x3FB3]  }
0x2b: {  	s6 =	sld [smem:$0x3FB4]  }
0x2c: {  	s7 =	sld [smem:$0x3FB5]  }
0x2d: {  	s3 =	simm.s32 $0x108;
	s8 =	sld [smem:$0x3FB6]  }
0x2e: {  	s3 =	simm.s32 @!p0 $0x1082;
	s9 =	sld [smem:$0x3FB7]  }
0x2f: {  	lr =	sadd.s32 s0, s3;
	s0 =	sld [smem:$0x3FAE]  }
0x30: {  	s3 =	sld [smem:$0x3FB1]  }
0x31: {  	[smem:$0x3FBA] =	sst s10  }
0x32: {  	s10 =	sld [smem:$0x3FB8];
	_ =	sdelay $0x3  }
0x33: {  	p0 =	seq.s32 s10, $0x1;
	s10 =	sld [smem:$0x3FBA];
	_ =	sdelay $0x3  }
0x34: {  	[smem:$0x3FBA] =	sst s10  }
0x35: {  	s10 =	sld [smem:$0x3FB9];
	_ =	sdelay $0x3  }
0x36: {  	p1 =	seq.s32 s10, $0x1;
	s10 =	sld [smem:$0x3FBA];
	_ =	sdelay $0x3  }
0x37: {  	[smem:$0x3FBA] =	sst s10  }
0x38: {  	s10 =	sld [smem:$0x3FBB]  }
0x39: {  	_ = 	snop;
	(pc) =	sbr.ind lr, $3  }
0x3a: {  	_ = 	snop  }
0x3b: {  	_ = 	snop  }
0x3c: {  	p2 =	seq.s32 s10, $0x1;
	s10 =	sld [smem:$0x3FBA]  }
0x3d: {  	_ =	shalt  }
0x3e: {  	_ =	shalt  }
0x3f: {  	_ =	shalt  }
0x40: {  	_ =	shalt  }
0x41: {  	_ =	shalt  }
0x42: {  	_ =	shalt  }
0x43: {  	_ =	shalt  }
0x44: {  	_ =	shalt  }
0x45: {  	_ =	shalt  }
0x46: {  	_ =	shalt  }
0x47: {  	_ =	shalt  }
0x48: {  	_ =	shalt  }
0x49: {  	_ =	shalt  }
0x4a: {  	_ =	shalt  }
0x4b: {  	_ =	shalt  }
0x4c: {  	_ =	shalt  }
0x4d: {  	_ =	shalt  }
0x4e: {  	_ =	shalt  }
0x4f: {  	_ =	shalt  }
0x50: {  	_ =	shalt  }
0x51: {  	_ =	shalt  }
0x52: {  	_ =	shalt  }
0x53: {  	_ =	shalt  }
0x54: {  	_ =	shalt  }
0x55: {  	_ =	shalt  }
0x56: {  	_ =	shalt  }
0x57: {  	_ =	shalt  }
0x58: {  	_ =	shalt  }
0x59: {  	_ =	shalt  }
0x5a: {  	_ =	shalt  }
0x5b: {  	_ =	shalt  }
0x5c: {  	_ =	shalt  }
0x5d: {  	_ =	shalt  }
0x5e: {  	_ =	shalt  }
0x5f: {  	_ =	shalt  }
0x60: {  	_ =	shalt  }
0x61: {  	_ =	shalt  }
0x62: {  	_ =	shalt  }
0x63: {  	_ =	shalt  }
0x64: {  	_ =	shalt  }
0x65: {  	_ =	shalt  }
0x66: {  	_ =	shalt  }
0x67: {  	_ =	shalt  }
0x68: {  	_ =	shalt  }
0x69: {  	_ =	shalt  }
0x6a: {  	_ =	shalt  }
0x6b: {  	_ =	shalt  }
0x6c: {  	_ =	shalt  }
0x6d: {  	_ =	shalt  }
0x6e: {  	_ =	shalt  }
0x6f: {  	_ =	shalt  }
0x70: {  	_ =	shalt  }
0x71: {  	_ =	shalt  }
0x72: {  	_ =	shalt  }
0x73: {  	_ =	shalt  }
0x74: {  	_ =	shalt  }
0x75: {  	_ =	shalt  }
0x76: {  	_ =	shalt  }
0x77: {  	_ =	shalt  }
0x78: {  	_ =	shalt  }
0x79: {  	_ =	shalt  }
0x7a: {  	_ =	shalt  }
0x7b: {  	_ =	shalt  }
0x7c: {  	_ =	shalt  }
0x7d: {  	_ =	shalt  }
0x7e: {  	_ =	shalt  }
0x7f: {  	_ =	shalt  }
0x80: {  	_ =	shalt  }
0x81: {  	_ =	shalt  }
0x82: {  	_ =	shalt  }
0x83: {  	_ =	shalt  }
0x84: {  	_ =	shalt  }
0x85: {  	_ =	shalt  }
0x86: {  	_ =	shalt  }
0x87: {  	_ =	shalt  }
.Lfunc_end0:
.L_simem_size_0:
called_computation_lowered:
.L_overlay_start_0:
0x88: {  	s2 =	sld [smem:$0x3FD9]  }
0x89: {  	s3 =	sld [smem:$0x3FFE];
	_ =	sdelay $0x1  }
0x8a: {  	s1 =	srdreg.scid  }
0x8b: {  	s0 =	sand.u32 $0x1, s1  }
0x8c: {  	s18 =	sshll.u32 s0, $0xA;
	s2 =	sadd.s32 s3, s2  }
0x8d: {  	s2 =	sadd.s32 s2, s18  }
0x8e: {  	[smem:$0x3FC6] =	sst s2  }
0x8f: {  	_ = 	snop  }
0x90: {  	s2 =	sld [smem:$0x3FC9]  }
0x91: {  	s19 =	sld [smem:$0x3FC8]  }
0x92: {  	s4 =	sld [smem:$0x3FD0];
	(tm) =	ssettm $0x1  }
0x93: {  	s5 =	sld [smem:$0x3FFB];
	_ =	sdelay $0x3  }
0x94: {  	_ =	strace s5  }
0x95: {  	s5 =	sld [smem:$0x3FFC];
	_ =	sdelay $0x3  }
0x96: {  	_ =	strace s5  }
0x97: {  	s5 =	sld [smem:$0x3FFD];
	_ =	sdelay $0x3  }
0x98: {  	_ =	strace s5  }
0x99: {  	_ =	strace $0x8FFFFFFF  }
0x9a: {  	s20 =	sld [smem:$0x3FDB];
	_ =	sdelay $0x1  }
0x9b: {  	s6 =	simm.s32 $_scs_section_size  }
0x9c: {  	s7 =	simm.s32 $_size__tile_overlayer_lowered;
	s8 =	simm.s32 $_tile_overlayer_lowered  }
0x9d: {  	s23 =	simm.s32 $0x1BFF;
	s22 =	sshll.u32 s8, $0x1;
	s5 =	sadd.s32 s6, s20  }
0x9e: {  	s9 =	simm.s32 $0x0;
	s21 =	sshll.u32 s7, $0x1;
	s7 =	sadd.s32 s22, s5  }
0x9f: {  	[timem:s9], [sflag:s23] =	dma.local [hbm:s7], s21  }
0xa0: {  	_ =	swait.ge [sflag:s23], s21  }
0xa1: {  	s6 =	ssub.s32 $0x0, s21;
	[sflag:s23] =	ssyncset.done $0x0  }
0xa2: {  	[sflag:s23] =	ssyncadd.s32 s6;
	_ =	sdelay $0x1  }
0xa3: {  	s24 =	simm.s32 $0x1B8B  }
0xa4: {  	_ =	swait.ge [sflag:s24], $0x1  }
0xa5: {  	[sflag:s24] =	ssyncset.done $0x0  }
0xa6: {  	s25 =	simm.s32 $0x1B8E;
	[sflag:s24] =	ssyncadd.s32 $0xFFFFFFFF  }
0xa7: {  	s26 =	simm.s32 $execute0_lowered;
	[smem:$0x3FD2] =	sst s25  }
0xa8: {  	s6 =	sshll.u32 s26, $0x1;
	_ =	strace $0x80000046;
	[dreg:$0x1] =	wrdreg $0xFFFFFFFF  }
0xa9: {  	s28 =	simm.s32 $_size_execute0_lowered;
	s5 =	sadd.s32 s5, s6;
	[dreg:$0x0] =	wrdreg $0x0  }
0xaa: {  	s6 =	sshll.u32 s28, $0x1;
	[dreg:$0x2] =	wrdreg s5  }
0xab: {  	[dreg:$0x3] =	wrdreg s6  }
0xac: {  	[dreg:$0x4] =	wrdreg $0xC0  }
0xad: {  	_ =	task [dreg:s9], $0x5FFFF  }
0xae: {  	[dreg:$0x1] =	wrdreg $0xFFFFFFFF  }
0xaf: {  	[dreg:$0x0] =	wrdreg $0x60  }
0xb0: {  	[dreg:$0x2] =	wrdreg s2  }
0xb1: {  	[dreg:$0x3] =	wrdreg s19  }
0xb2: {  	[dreg:$0x4] =	wrdreg s4  }
0xb3: {  	[dreg:$0x5] =	wrdreg $0xFC800  }
0xb4: {  	[dreg:$0x6] =	wrdreg $0x9  }
0xb5: {  	_ =	task.clear_ibuf [dreg:s9], $0x7FFFF;
	_ =	strace $0x90000046  }
0xb6: {  	s29 =	simm.s32 $0x9;
	_ =	strace $0x80000048  }
0xb7: {  	_ =	swait.ge [sflag:s29], $0x1  }
0xb8: {  	[sflag:s29] =	ssyncadd.s32 $0xFFFFFFFF  }
0xb9: {  	_ =	strace $0x90000048  }
0xba: {  	_ =	sfence  }
0xbb: {  	s30 =	sld [smem:$0x0];
	_ =	sdelay $0x2  }
0xbc: {  	s31 =	sshll.u32 s1, $0xD;
	s1 =	sshrl.u32 s1, $0x2  }
0xbd: {  	s3 =	sand.u32 $0x4000, s31;
	s1 =	sadd.s32 s1, s30  }
0xbe: {  	s0 =	sor.u32 s3, s0;
	s1 =	sshll.u32 s1, $0x11  }
0xbf: {  	s0 =	sor.u32 s1, s0  }
0xc0: {  	s0 =	sadd.s32 $0x8F2B, s0  }
0xc1: {  	[sflag:s0] =	ssyncadd.remote.s32 $0x1  }
0xc2: {  	_ =	sfence.sel $0xFFFF  }
0xc3: {  	[dreg:$0x0] =	wrdreg $0xFFFFFFFF;
	(pc) =	sbr.abs _section_cstart, $3  }
0xc4: {  	[dreg:$0x1] =	wrdreg $0xFFFFFFFF  }
0xc5: {  	_ =	task.clear_ibuf [dreg:s9], $0x2FFFF;
	_ =	strace $0x9FFFFFFF  }
0xc6: {  	(tm) =	ssettm $0x7FFFFFFF  }
0xc7: {  	_ =	shalt  }
tec
execute0_lowered:
.L_overlay_start_1:
0x0: {  	(tag) =	ssettag $0x1  }
0x1: {  	s4 =	rddreg [dreg:$0x0]  }
0x2: {  	s1 =	rddreg [dreg:$0x1]  }
0x3: {  	s0 =	srdreg.scid;
	s6 =	rddreg [dreg:$0x2]  }
0x4: {  	s5 =	stileid.u32;
	s2 =	rddreg [dreg:$0x3];
	s10 =	sand.u32 $0x1, s0  }
0x5: {  	s3 =	simm.s32 $0x0;
	s9 =	sshll.u32 s5, $0x6;
	s0 =	sshll.u32 s10, $0x5  }
0x6: {  	[smem:$0x7FF] =	sst s3;
	s7 =	sor.u32 s0, s9  }
0x7: {  	p0 =	sne.s32 s5, $0x0;
	s0 =	rddreg [dreg:$0x4];
	s8 =	smul.u32 $0x1500, s7  }
0x8: {  	_ =	strace $0x80000047;
	s11 =	smul.u32 $0xA800, s7;
	s7 =	sshrl.u32 s7, $0x3  }
0x9: {  	[tilespmem:s3], [sflag:$0x1] =	stream.linear.gather [hbm4b:s1+s3], $0x5400, $0x38;
	[tilespmem:$0x10C40] =	vst v63  }
0xa: {  	s7 =	sadd.s32 s4, s7;
	s4 =	sadd.s32 s6, s8;
	s23 =	sshrl.u32 s11, $0x3  }
0xb: {  	[dreg:$0x5] =	wrdreg s7;
	s7 =	sadd.s32 $0x5400, s2;
	s24 =	sadd.s32 $0x1500, s4  }
0xc: {  	s6 =	sadd.s32 s6, s23;
	s5 =	sshrl.u32 @!p0 s7, $0x3;
	[dreg:$0x6] =	wrdreg s24  }
0xd: {  	s25 =	sadd.s32 $0x2A00, s6;
	[smem:$0x7F7] =	sst s5  }
0xe: {  	s26 =	sadd.s32 $0x3F00, s6;
	[dreg:$0x7] =	wrdreg s25  }
0xf: {  	s28 =	sadd.s32 $0x5400, s6;
	[dreg:$0x8] =	wrdreg s26  }
0x10: {  	s29 =	sadd.s32 $0x6900, s6;
	[dreg:$0x9] =	wrdreg s28  }
0x11: {  	s30 =	sadd.s32 $0x7E00, s6;
	[dreg:$0xa] =	wrdreg s29  }
0x12: {  	s31 =	sadd.s32 $0x9300, s6;
	[dreg:$0xb] =	wrdreg s30  }
0x13: {  	s8 =	sadd.s32 $0xA800, s6;
	[dreg:$0xc] =	wrdreg s31  }
0x14: {  	s11 =	sadd.s32 $0xBD00, s6;
	[dreg:$0xd] =	wrdreg s8  }
0x15: {  	s12 =	sadd.s32 $0xD200, s6;
	[dreg:$0xe] =	wrdreg s11  }
0x16: {  	s13 =	sadd.s32 $0xE700, s6;
	[dreg:$0xf] =	wrdreg s12  }
0x17: {  	s14 =	sadd.s32 $0xFC00, s6;
	[dreg:$0x10] =	wrdreg s13  }
0x18: {  	s15 =	sadd.s32 $0x11100, s6;
	[dreg:$0x11] =	wrdreg s14  }
0x19: {  	s16 =	sadd.s32 $0x12600, s6;
	[dreg:$0x12] =	wrdreg s15  }
0x1a: {  	s17 =	sadd.s32 $0x13B00, s6;
	[dreg:$0x13] =	wrdreg s16  }
0x1b: {  	s18 =	sadd.s32 $0x15000, s6;
	[dreg:$0x14] =	wrdreg s17  }
0x1c: {  	s19 =	sadd.s32 $0x16500, s6;
	[dreg:$0x15] =	wrdreg s18  }
0x1d: {  	s20 =	sadd.s32 $0x17A00, s6;
	[dreg:$0x16] =	wrdreg s19  }
0x1e: {  	s21 =	sadd.s32 $0x18F00, s6;
	[dreg:$0x17] =	wrdreg s20  }
0x1f: {  	s22 =	sadd.s32 $0x1A400, s6;
	[dreg:$0x18] =	wrdreg s21  }
0x20: {  	s23 =	sadd.s32 $0x1B900, s6;
	[dreg:$0x19] =	wrdreg s22  }
0x21: {  	s24 =	sadd.s32 $0x1CE00, s6;
	[dreg:$0x1a] =	wrdreg s23  }
0x22: {  	[dreg:$0x1b] =	wrdreg s24  }
0x23: {  	s25 =	sadd.s32 $0x1E300, s6;
	s18 =	rddreg [dreg:$0x5]  }
0x24: {  	s26 =	sadd.s32 $0x1F800, s6;
	[dreg:$0x1c] =	wrdreg s25  }
0x25: {  	s28 =	sadd.s32 $0x20D00, s6;
	[dreg:$0x1d] =	wrdreg s26  }
0x26: {  	s29 =	sadd.s32 $0x22200, s6;
	[dreg:$0x1e] =	wrdreg s28  }
0x27: {  	s30 =	sadd.s32 $0x23700, s6;
	[dreg:$0x1f] =	wrdreg s29  }
0x28: {  	s31 =	sadd.s32 $0x24C00, s6;
	[smem:$0x7F9] =	sst s30  }
0x29: {  	s8 =	sadd.s32 $0x26100, s6;
	[smem:$0x7FA] =	sst s31  }
0x2a: {  	s11 =	sadd.s32 $0x27600, s6;
	[smem:$0x7FB] =	sst s8  }
0x2b: {  	s6 =	sadd.s32 $0x28B00, s6;
	[smem:$0x7FC] =	sst s11  }
0x2c: {  	s12 =	simm.s32 $0x5400;
	[smem:$0x7FD] =	sst s6  }
0x2d: {  	s13 =	simm.s32 $0xA800;
	[smem:$0x7F5] =	sst s12  }
0x2e: {  	[smem:$0x7F6] =	sst s13  }
0x2f: {  	s14 =	simm.s32 $0xFC00;
	s16 =	sld [smem:$0x7F5]  }
0x30: {  	[smem:$0x7F4] =	sst s14  }
0x31: {  	s6 =	sadd.s32 $0xA800, s2;
	s17 =	sld [smem:$0x7F6]  }
0x32: {  	[tilespmem:s16], [sflag:$0x1] =	stream.linear.gather [hbm4b:s1+s3], $0x5400, $0x38;
	[tilespmem:$0x10C40] =	vst v63  }
0x33: {  	s7 =	simm.s32 @!p0 $0x2;
	s5 =	sshrl.u32 @!p0 s6, $0x3;
	s15 =	sld [smem:$0x7F4]  }
0x34: {  	[tilespmem:s17], [sflag:$0x1] =	stream.linear.gather [hbm4b:s1+s3], $0x5400, $0x38;
	[tilespmem:$0x10C40] =	vst v63  }
0x35: {  	s6 =	simm.s32 @!p0 $0x1C02;
	[smem:$0x7F8] =	sst s5;
	s5 =	sshrl.u32 @!p0 s2, $0x3  }
0x36: {  	[tilespmem:s15], [sflag:$0x1] =	stream.linear.gather [hbm4b:s18+s3], $0x20, $0x38;
	[tilespmem:$0x10C40] =	vst v63  }
0x37: {  	[spmem:s5], [sflag:s6] =	dma.local @!p0 [hbm:s1], $0xA80  }
0x38: {  	_ =	swait.ge @!p0 [sflag:s7], $0xA80  }
0x39: {  	s8 =	sld [smem:$0x7F7]  }
0x3a: {  	[sflag:s7] =	ssyncset.done @!p0 $0x0  }
0x3b: {  	[sflag:s7] =	ssyncadd.s32 @!p0 $0xFFFFF580  }
0x3c: {  	[spmem:s8], [sflag:s6] =	dma.local @!p0 [hbm:s1], $0xA80  }
0x3d: {  	_ =	swait.ge @!p0 [sflag:s7], $0xA80  }
0x3e: {  	s8 =	sld [smem:$0x7F8]  }
0x3f: {  	[sflag:s7] =	ssyncset.done @!p0 $0x0  }
0x40: {  	[sflag:s7] =	ssyncadd.s32 @!p0 $0xFFFFF580  }
0x41: {  	[spmem:s8], [sflag:s6] =	dma.local @!p0 [hbm:s1], $0xA80  }
0x42: {  	_ =	swait.ge @!p0 [sflag:s7], $0xA80  }
0x43: {  	[sflag:s7] =	ssyncset.done @!p0 $0x0  }
0x44: {  	[sflag:s7] =	ssyncadd.s32 @!p0 $0xFFFFF580  }
0x45: {  	s8 =	simm.s32 $0x1;
	[bflag:$0x0] =	sbarrier.arrive $0xFFFF  }
0x46: {  	_ =	swait.ge [sflag:s8], $0x5400  }
0x47: {  	[sflag:s8] =	ssyncset.done $0x0  }
0x48: {  	[sflag:s8] =	ssyncadd.s32 $0xFFFFAC00  }
0x49: {  	_ =	swait.ge [sflag:s8], $0x5400  }
0x4a: {  	[sflag:s8] =	ssyncset.done $0x0  }
0x4b: {  	[sflag:s8] =	ssyncadd.s32 $0xFFFFAC00  }
0x4c: {  	_ =	swait.ge [sflag:s8], $0x5400  }
0x4d: {  	[sflag:s8] =	ssyncset.done $0x0  }
0x4e: {  	[sflag:s8] =	ssyncadd.s32 $0xFFFFAC00  }
0x4f: {  	_ =	swait.ge [sflag:s8], $0x20  }
0x50: {  	[sflag:s8] =	ssyncset.done $0x0  }
0x51: {  	[sflag:s8] =	ssyncadd.s32 $0xFFFFFFE0  }
0x52: {  	v0 =	vld [tilespmem:$0xFC00];
	_ =	sdelay $0x4  }
0x53: {  	v0 =	vshll.u32 v0, $0x9  }
0x54: {  	v0 =	vshra.s32 v0, $0x2  }
0x55: {  	(v2sf) =	vpush v0, $0x1  }
0x56: {  	(v2sf) =	vpush v0, $0x0;
	_ =	sdelay $0x1  }
0x57: {  	(v2sf) =	vpush v0, $0x4;
	_ =	sdelay $0x1  }
0x58: {  	(v2sf) =	vpush v0, $0x2;
	_ =	sdelay $0x1  }
0x59: {  	v1 =	vadd.s32 s2, v0;
	(v2sf) =	vpush v0, $0x3  }
0x5a: {  	v1 =	vshrl.u32 v1, $0x3  }
0x5b: {  	(v2sf) =	vpush v1, $0x5;
	_ =	sdelay $0x3  }
0x5c: {  	(v2sf) =	vpush v1, $0x6;
	_ =	sdelay $0x1  }
0x5d: {  	s12 =	spop (v2sf)  }
0x5e: {  	s19 =	rddreg [dreg:$0x6];
	(v2sf) =	vpush v1, $0x7;
	s14 =	spop (v2sf)  }
0x5f: {  	[hbm4b:s4+s3] =	stream.linear.scatter [tilespmem:s14], [sflag:$0x1], $0xA800, $0x38;
	[tilespmem:$0x10C40] =	vst v63  }
0x60: {  	s13 =	rddreg [dreg:$0x7];
	s15 =	spop (v2sf)  }
0x61: {  	(v2sf) =	vpush v0, $0x8;
	[hbm4b:s19+s3] =	stream.linear.scatter [tilespmem:s12], [sflag:$0x1], $0xA800, $0x38;
	[tilespmem:$0x10C40] =	vst v63  }
0x62: {  	s20 =	rddreg [dreg:$0x8];
	(v2sf) =	vpush v0, $0x9;
	s22 =	spop (v2sf)  }
0x63: {  	[hbm4b:s13+s3] =	stream.linear.scatter [tilespmem:s22], [sflag:$0x1], $0xA800, $0x38;
	[tilespmem:$0x10C40] =	vst v63  }
0x64: {  	s21 =	rddreg [dreg:$0x9];
	s24 =	spop (v2sf)  }
0x65: {  	[hbm4b:s20+s3] =	stream.linear.scatter [tilespmem:s24], [sflag:$0x1], $0xA800, $0x38;
	[tilespmem:$0x10C40] =	vst v63  }
0x66: {  	s9 =	sor.u32 $0x1C01, s9;
	s23 =	rddreg [dreg:$0xa];
	s25 =	spop (v2sf)  }
0x67: {  	(v2sf) =	vpush v0, $0xA;
	[hbm4b:s21+s3] =	stream.linear.scatter [tilespmem:s15], [sflag:$0x1], $0xA800, $0x38;
	[tilespmem:$0x10C40] =	vst v63  }
0x68: {  	[hbm:s23], [sflag:s9] =	dma.local [spmem:s25], $0x1500  }
0x69: {  	(v2sf) =	vpush v0, $0xB  }
0x6a: {  	s26 =	rddreg [dreg:$0xb];
	s12 =	spop (v2sf);
	(v2sf) =	vpush v0, $0xC  }
0x6b: {  	[hbm:s26], [sflag:s9] =	dma.local [spmem:s12], $0x1500  }
0x6c: {  	(v2sf) =	vpush v1, $0xD  }
0x6d: {  	s11 =	rddreg [dreg:$0xc];
	s12 =	spop (v2sf)  }
0x6e: {  	[hbm:s11], [sflag:s9] =	dma.local [spmem:s12], $0x1500  }
0x6f: {  	(v2sf) =	vpush v1, $0xE  }
0x70: {  	s28 =	spop (v2sf)  }
0x71: {  	s30 =	spop (v2sf);
	(v2sf) =	vpush v1, $0xF  }
0x72: {  	s11 =	rddreg [dreg:$0xd]  }
0x73: {  	[hbm4b:s11+s3] =	stream.linear.scatter [tilespmem:s28], [sflag:$0x1], $0xA800, $0x38;
	[tilespmem:$0x10C40] =	vst v63  }
0x74: {  	s12 =	rddreg [dreg:$0xe]  }
0x75: {  	[hbm4b:s12+s3] =	stream.linear.scatter [tilespmem:s30], [sflag:$0x1], $0xA800, $0x38;
	[tilespmem:$0x10C40] =	vst v63  }
0x76: {  	s29 =	rddreg [dreg:$0xf];
	s16 =	spop (v2sf)  }
0x77: {  	[hbm4b:s29+s3] =	stream.linear.scatter [tilespmem:s16], [sflag:$0x1], $0xA800, $0x38;
	[tilespmem:$0x10C40] =	vst v63  }
0x78: {  	s31 =	rddreg [dreg:$0x10];
	s18 =	spop (v2sf)  }
0x79: {  	s17 =	rddreg [dreg:$0x11];
	s20 =	spop (v2sf)  }
0x7a: {  	[hbm4b:s31+s3] =	stream.linear.scatter [tilespmem:s18], [sflag:$0x1], $0xA800, $0x38;
	[tilespmem:$0x10C40] =	vst v63  }
0x7b: {  	s19 =	rddreg [dreg:$0x12];
	s21 =	spop (v2sf)  }
0x7c: {  	[hbm4b:s17+s3] =	stream.linear.scatter [tilespmem:s20], [sflag:$0x1], $0xA800, $0x38;
	[tilespmem:$0x10C40] =	vst v63  }
0x7d: {  	[hbm:s19], [sflag:s9] =	dma.local [spmem:s21], $0x1500  }
0x7e: {  	s11 =	rddreg [dreg:$0x13];
	s22 =	spop (v2sf)  }
0x7f: {  	[hbm:s11], [sflag:s9] =	dma.local [spmem:s22], $0x1500  }
0x80: {  	s11 =	rddreg [dreg:$0x14];
	s12 =	spop (v2sf)  }
0x81: {  	[hbm:s11], [sflag:s9] =	dma.local [spmem:s12], $0x1500  }
0x82: {  	v62 =	vld [tilespmem:$0xFC10];
	_ =	sdelay $0x4  }
0x83: {  	v0 =	vshll.u32 v62, $0x9  }
0x84: {  	v0 =	vshra.s32 v0, $0x2  }
0x85: {  	(v2sf) =	vpush v0, $0x2  }
0x86: {  	(v2sf) =	vpush v0, $0x0;
	_ =	sdelay $0x1  }
0x87: {  	(v2sf) =	vpush v0, $0x1;
	_ =	sdelay $0x1  }
0x88: {  	(v2sf) =	vpush v0, $0x3;
	_ =	sdelay $0x1  }
0x89: {  	v63 =	vadd.s32 s2, v0;
	(v2sf) =	vpush v0, $0x4  }
0x8a: {  	v1 =	vshrl.u32 v63, $0x3  }
0x8b: {  	(v2sf) =	vpush v1, $0x5;
	_ =	sdelay $0x3  }
0x8c: {  	(v2sf) =	vpush v1, $0x6;
	_ =	sdelay $0x1  }
0x8d: {  	s11 =	rddreg [dreg:$0x15];
	s23 =	spop (v2sf)  }
0x8e: {  	s12 =	rddreg [dreg:$0x16];
	s25 =	spop (v2sf)  }
0x8f: {  	[hbm4b:s11+s3] =	stream.linear.scatter [tilespmem:s25], [sflag:$0x1], $0xA800, $0x38;
	[tilespmem:$0x10C40] =	vst v63  }
0x90: {  	s24 =	rddreg [dreg:$0x17];
	(v2sf) =	vpush v1, $0x7;
	s28 =	spop (v2sf)  }
0x91: {  	[hbm4b:s12+s3] =	stream.linear.scatter [tilespmem:s28], [sflag:$0x1], $0xA800, $0x38;
	[tilespmem:$0x10C40] =	vst v63  }
0x92: {  	s26 =	rddreg [dreg:$0x18];
	s30 =	spop (v2sf)  }
0x93: {  	(v2sf) =	vpush v0, $0x8;
	[hbm4b:s24+s3] =	stream.linear.scatter [tilespmem:s23], [sflag:$0x1], $0xA800, $0x38;
	[tilespmem:$0x10C40] =	vst v63  }
0x94: {  	s29 =	rddreg [dreg:$0x19];
	s16 =	spop (v2sf)  }
0x95: {  	(v2sf) =	vpush v0, $0x9;
	[hbm4b:s26+s3] =	stream.linear.scatter [tilespmem:s30], [sflag:$0x1], $0xA800, $0x38;
	[tilespmem:$0x10C40] =	vst v63  }
0x96: {  	s31 =	rddreg [dreg:$0x1a];
	s17 =	spop (v2sf)  }
0x97: {  	(v2sf) =	vpush v0, $0xA;
	[hbm4b:s29+s3] =	stream.linear.scatter [tilespmem:s16], [sflag:$0x1], $0xA800, $0x38;
	[tilespmem:$0x10C40] =	vst v63  }
0x98: {  	[hbm:s31], [sflag:s9] =	dma.local [spmem:s17], $0x1500  }
0x99: {  	(v2sf) =	vpush v0, $0xB  }
0x9a: {  	s11 =	rddreg [dreg:$0x1b];
	s18 =	spop (v2sf);
	(v2sf) =	vpush v0, $0xC  }
0x9b: {  	[hbm:s11], [sflag:s9] =	dma.local [spmem:s18], $0x1500  }
0x9c: {  	(v2sf) =	vpush v1, $0xD;
	_ =	sdelay $0x2  }
0x9d: {  	s11 =	rddreg [dreg:$0x1c];
	s12 =	spop (v2sf)  }
0x9e: {  	[hbm:s11], [sflag:s9] =	dma.local [spmem:s12], $0x1500  }
0x9f: {  	(v2sf) =	vpush v1, $0xE;
	s11 =	rddreg [dreg:$0x1d]  }
0xa0: {  	s12 =	rddreg [dreg:$0x1e];
	s19 =	spop (v2sf)  }
0xa1: {  	[hbm4b:s11+s3] =	stream.linear.scatter [tilespmem:s19], [sflag:$0x1], $0xA800, $0x38;
	[tilespmem:$0x10C40] =	vst v63  }
0xa2: {  	s20 =	rddreg [dreg:$0x1f];
	s21 =	spop (v2sf)  }
0xa3: {  	(v2sf) =	vpush v1, $0xF;
	[hbm4b:s12+s3] =	stream.linear.scatter [tilespmem:s21], [sflag:$0x1], $0xA800, $0x38;
	[tilespmem:$0x10C40] =	vst v63  }
0xa4: {  	s22 =	sld [smem:$0x7F9];
	s23 =	spop (v2sf)  }
0xa5: {  	[hbm4b:s20+s3] =	stream.linear.scatter [tilespmem:s23], [sflag:$0x1], $0xA800, $0x38;
	[tilespmem:$0x10C40] =	vst v63  }
0xa6: {  	s24 =	sld [smem:$0x7FA];
	s25 =	spop (v2sf)  }
0xa7: {  	s26 =	sld [smem:$0x7FB];
	s28 =	spop (v2sf)  }
0xa8: {  	[hbm4b:s22+s3] =	stream.linear.scatter [tilespmem:s25], [sflag:$0x1], $0xA800, $0x38;
	[tilespmem:$0x10C40] =	vst v63  }
0xa9: {  	s29 =	spop (v2sf)  }
0xaa: {  	[hbm4b:s24+s3] =	stream.linear.scatter [tilespmem:s28], [sflag:$0x1], $0xA800, $0x38;
	[tilespmem:$0x10C40] =	vst v63  }
0xab: {  	[hbm:s26], [sflag:s9] =	dma.local [spmem:s29], $0x1500  }
0xac: {  	s11 =	sld [smem:$0x7FC];
	_ =	sdelay $0x1  }
0xad: {  	s30 =	spop (v2sf)  }
0xae: {  	[hbm:s11], [sflag:s9] =	dma.local [spmem:s30], $0x1500  }
0xaf: {  	s11 =	sld [smem:$0x7FD];
	_ =	sdelay $0x1  }
0xb0: {  	s12 =	spop (v2sf)  }
0xb1: {  	[hbm:s11], [sflag:s9] =	dma.local [spmem:s12], $0x1500  }
0xb2: {  	_ =	swait.ge [sflag:s8], $0xA800  }
0xb3: {  	[sflag:s8] =	ssyncset.done $0x0  }
0xb4: {  	[sflag:s8] =	ssyncadd.s32 $0xFFFF5800  }
0xb5: {  	_ =	swait.ge [sflag:s8], $0xA800  }
0xb6: {  	[sflag:s8] =	ssyncset.done $0x0  }
0xb7: {  	[sflag:s8] =	ssyncadd.s32 $0xFFFF5800  }
0xb8: {  	_ =	swait.ge [sflag:s8], $0xA800  }
0xb9: {  	[sflag:s8] =	ssyncset.done $0x0  }
0xba: {  	[sflag:s8] =	ssyncadd.s32 $0xFFFF5800  }
0xbb: {  	_ =	swait.ge [sflag:s8], $0xA800  }
0xbc: {  	[sflag:s8] =	ssyncset.done $0x0  }
0xbd: {  	[sflag:s8] =	ssyncadd.s32 $0xFFFF5800  }
0xbe: {  	_ =	swait.ge [sflag:s8], $0xA800  }
0xbf: {  	[sflag:s8] =	ssyncset.done $0x0  }
0xc0: {  	[sflag:s8] =	ssyncadd.s32 $0xFFFF5800  }
0xc1: {  	_ =	swait.ge [sflag:s8], $0x1500  }
0xc2: {  	[sflag:s8] =	ssyncset.done $0x0  }
0xc3: {  	[sflag:s8] =	ssyncadd.s32 $0xFFFFEB00  }
0xc4: {  	_ =	swait.ge [sflag:s8], $0x1500  }
0xc5: {  	[sflag:s8] =	ssyncset.done $0x0  }
0xc6: {  	[sflag:s8] =	ssyncadd.s32 $0xFFFFEB00  }
0xc7: {  	_ =	swait.ge [sflag:s8], $0x1500  }
0xc8: {  	[sflag:s8] =	ssyncset.done $0x0  }
0xc9: {  	[sflag:s8] =	ssyncadd.s32 $0xFFFFEB00  }
0xca: {  	_ =	swait.ge [sflag:s8], $0xA800  }
0xcb: {  	[sflag:s8] =	ssyncset.done $0x0  }
0xcc: {  	[sflag:s8] =	ssyncadd.s32 $0xFFFF5800  }
0xcd: {  	_ =	swait.ge [sflag:s8], $0xA800  }
0xce: {  	[sflag:s8] =	ssyncset.done $0x0  }
0xcf: {  	[sflag:s8] =	ssyncadd.s32 $0xFFFF5800  }
0xd0: {  	_ =	swait.ge [sflag:s8], $0xA800  }
0xd1: {  	[sflag:s8] =	ssyncset.done $0x0  }
0xd2: {  	[sflag:s8] =	ssyncadd.s32 $0xFFFF5800  }
0xd3: {  	_ =	swait.ge [sflag:s8], $0xA800  }
0xd4: {  	[sflag:s8] =	ssyncset.done $0x0  }
0xd5: {  	[sflag:s8] =	ssyncadd.s32 $0xFFFF5800  }
0xd6: {  	_ =	swait.ge [sflag:s8], $0xA800  }
0xd7: {  	[sflag:s8] =	ssyncset.done $0x0  }
0xd8: {  	[sflag:s8] =	ssyncadd.s32 $0xFFFF5800  }
0xd9: {  	_ =	swait.ge [sflag:s8], $0x1500  }
0xda: {  	[sflag:s8] =	ssyncset.done $0x0  }
0xdb: {  	[sflag:s8] =	ssyncadd.s32 $0xFFFFEB00  }
0xdc: {  	_ =	swait.ge [sflag:s8], $0x1500  }
0xdd: {  	[sflag:s8] =	ssyncset.done $0x0  }
0xde: {  	[sflag:s8] =	ssyncadd.s32 $0xFFFFEB00  }
0xdf: {  	_ =	swait.ge [sflag:s8], $0x1500  }
0xe0: {  	[sflag:s8] =	ssyncset.done $0x0  }
0xe1: {  	[sflag:s8] =	ssyncadd.s32 $0xFFFFEB00  }
0xe2: {  	_ =	swait.ge [sflag:s8], $0xA800  }
0xe3: {  	[sflag:s8] =	ssyncset.done $0x0  }
0xe4: {  	[sflag:s8] =	ssyncadd.s32 $0xFFFF5800  }
0xe5: {  	_ =	swait.ge [sflag:s8], $0xA800  }
0xe6: {  	[sflag:s8] =	ssyncset.done $0x0  }
0xe7: {  	[sflag:s8] =	ssyncadd.s32 $0xFFFF5800  }
0xe8: {  	_ =	swait.ge [sflag:s8], $0xA800  }
0xe9: {  	[sflag:s8] =	ssyncset.done $0x0  }
0xea: {  	[sflag:s8] =	ssyncadd.s32 $0xFFFF5800  }
0xeb: {  	_ =	swait.ge [sflag:s8], $0xA800  }
0xec: {  	[sflag:s8] =	ssyncset.done $0x0  }
0xed: {  	[sflag:s8] =	ssyncadd.s32 $0xFFFF5800  }
0xee: {  	_ =	swait.ge [sflag:s8], $0xA800  }
0xef: {  	[sflag:s8] =	ssyncset.done $0x0  }
0xf0: {  	[sflag:s8] =	ssyncadd.s32 $0xFFFF5800  }
0xf1: {  	_ =	swait.ge [sflag:s8], $0x1500  }
0xf2: {  	[sflag:s8] =	ssyncset.done $0x0  }
0xf3: {  	[sflag:s8] =	ssyncadd.s32 $0xFFFFEB00  }
0xf4: {  	_ =	swait.ge [sflag:s8], $0x1500  }
0xf5: {  	[sflag:s8] =	ssyncset.done $0x0  }
0xf6: {  	[sflag:s8] =	ssyncadd.s32 $0xFFFFEB00  }
0xf7: {  	_ =	swait.ge [sflag:s8], $0x1500  }
0xf8: {  	[sflag:s8] =	ssyncset.done $0x0  }
0xf9: {  	[sflag:s8] =	ssyncadd.s32 $0xFFFFEB00  }
0xfa: {  	_ =	swait.ge [sflag:s8], $0xA800  }
0xfb: {  	[sflag:s8] =	ssyncset.done $0x0  }
0xfc: {  	[sflag:s8] =	ssyncadd.s32 $0xFFFF5800  }
0xfd: {  	_ =	swait.ge [sflag:s8], $0xA800  }
0xfe: {  	[sflag:s8] =	ssyncset.done $0x0  }
0xff: {  	[sflag:s8] =	ssyncadd.s32 $0xFFFF5800  }
0x100: {  	_ =	swait.ge [sflag:s8], $0xA800  }
0x101: {  	[sflag:s8] =	ssyncset.done $0x0  }
0x102: {  	[sflag:s8] =	ssyncadd.s32 $0xFFFF5800  }
0x103: {  	_ =	swait.ge [sflag:s8], $0xA800  }
0x104: {  	s10 =	ssub.s32 $0x2, s10;
	[sflag:s8] =	ssyncset.done $0x0  }
0x105: {  	s31 =	sshrl.u32 s10, $0x1;
	[sflag:s8] =	ssyncadd.s32 $0xFFFF5800  }
0x106: {  	s10 =	ssub.s32 s10, s31;
	_ =	swait.ge [sflag:s8], $0xA800  }
0x107: {  	s10 =	smax.u32 s10, $0x1;
	[sflag:s8] =	ssyncset.done $0x0  }
0x108: {  	s10 =	sadd.s32 $0xFFFFFFFF, s10;
	[sflag:s8] =	ssyncadd.s32 $0xFFFF5800  }
0x109: {  	p1 =	sne.s32 s10, $0x0;
	_ =	swait.ge [sflag:s8], $0x1500  }
.Ltmp0:
0x10a: {  	[sflag:s8] =	ssyncset.done $0x0;
	(pc) =	sbr.rel @!p1 .LBB2_2-.Ltmp0, $4  }
0x10b: {  	[sflag:s8] =	ssyncadd.s32 $0xFFFFEB00  }
0x10c: {  	_ =	swait.ge [sflag:s8], $0x1500  }
0x10d: {  	[sflag:s8] =	ssyncset.done $0x0  }
0x10e: {  	[sflag:s8] =	ssyncadd.s32 $0xFFFFEB00  }
.LBB2_1:
0x10f: {  	_ =	swait.ge [sflag:s8], $0x1500  }
0x110: {  	[sflag:s8] =	ssyncset.done $0x0  }
0x111: {  	s12 =	sld [smem:$0x7F5];
	[sflag:s8] =	ssyncadd.s32 $0xFFFFEB00  }
0x112: {  	[tilespmem:s3], [sflag:$0x1] =	stream.linear.gather [hbm4b:s1+s3], $0x5400, $0x38;
	[tilespmem:$0x10C40] =	vst v63  }
0x113: {  	s13 =	sld [smem:$0x7F6]  }
0x114: {  	[tilespmem:s12], [sflag:$0x1] =	stream.linear.gather [hbm4b:s1+s3], $0x5400, $0x38;
	[tilespmem:$0x10C40] =	vst v63  }
0x115: {  	s11 =	sld [smem:$0x7F4]  }
0x116: {  	[tilespmem:s13], [sflag:$0x1] =	stream.linear.gather [hbm4b:s1+s3], $0x5400, $0x38;
	[tilespmem:$0x10C40] =	vst v63  }
0x117: {  	s17 =	rddreg [dreg:$0x5]  }
0x118: {  	[tilespmem:s11], [sflag:$0x1] =	stream.linear.gather [hbm4b:s17+s3], $0x20, $0x38;
	[tilespmem:$0x10C40] =	vst v63  }
0x119: {  	[spmem:s5], [sflag:s6] =	dma.local @!p0 [hbm:s1], $0xA80  }
0x11a: {  	_ =	swait.ge @!p0 [sflag:s7], $0xA80  }
0x11b: {  	s11 =	sld [smem:$0x7F7]  }
0x11c: {  	[sflag:s7] =	ssyncset.done @!p0 $0x0  }
0x11d: {  	[sflag:s7] =	ssyncadd.s32 @!p0 $0xFFFFF580  }
0x11e: {  	[spmem:s11], [sflag:s6] =	dma.local @!p0 [hbm:s1], $0xA80  }
0x11f: {  	_ =	swait.ge @!p0 [sflag:s7], $0xA80  }
0x120: {  	s11 =	sld [smem:$0x7F8]  }
0x121: {  	[sflag:s7] =	ssyncset.done @!p0 $0x0  }
0x122: {  	[sflag:s7] =	ssyncadd.s32 @!p0 $0xFFFFF580  }
0x123: {  	[spmem:s11], [sflag:s6] =	dma.local @!p0 [hbm:s1], $0xA80  }
0x124: {  	_ =	swait.ge @!p0 [sflag:s7], $0xA80  }
0x125: {  	[sflag:s7] =	ssyncset.done @!p0 $0x0  }
0x126: {  	[sflag:s7] =	ssyncadd.s32 @!p0 $0xFFFFF580  }
0x127: {  	[bflag:$0x0] =	sbarrier.arrive $0xFFFF  }
0x128: {  	_ =	swait.ge [sflag:s8], $0x5400  }
0x129: {  	[sflag:s8] =	ssyncset.done $0x0  }
0x12a: {  	[sflag:s8] =	ssyncadd.s32 $0xFFFFAC00  }
0x12b: {  	_ =	swait.ge [sflag:s8], $0x5400  }
0x12c: {  	[sflag:s8] =	ssyncset.done $0x0  }
0x12d: {  	[sflag:s8] =	ssyncadd.s32 $0xFFFFAC00  }
0x12e: {  	_ =	swait.ge [sflag:s8], $0x5400  }
0x12f: {  	[sflag:s8] =	ssyncset.done $0x0  }
0x130: {  	[sflag:s8] =	ssyncadd.s32 $0xFFFFAC00  }
0x131: {  	_ =	swait.ge [sflag:s8], $0x20  }
0x132: {  	[sflag:s8] =	ssyncset.done $0x0  }
0x133: {  	[sflag:s8] =	ssyncadd.s32 $0xFFFFFFE0  }
0x134: {  	v0 =	vld [tilespmem:$0xFC00];
	_ =	sdelay $0x4  }
0x135: {  	v0 =	vshll.u32 v0, $0x9  }
0x136: {  	v0 =	vshra.s32 v0, $0x2  }
0x137: {  	(v2sf) =	vpush v0, $0x1  }
0x138: {  	(v2sf) =	vpush v0, $0x0;
	_ =	sdelay $0x1  }
0x139: {  	(v2sf) =	vpush v0, $0x4  }
0x13a: {  	(v2sf) =	vpush v0, $0x2;
	_ =	sdelay $0x1  }
0x13b: {  	(v2sf) =	vpush v0, $0x3;
	_ =	sdelay $0x1  }
0x13c: {  	v1 =	vadd.s32 s2, v0  }
0x13d: {  	v1 =	vshrl.u32 v1, $0x3  }
0x13e: {  	(v2sf) =	vpush v1, $0x5;
	_ =	sdelay $0x3  }
0x13f: {  	(v2sf) =	vpush v1, $0x6  }
0x140: {  	s19 =	spop (v2sf)  }
0x141: {  	s14 =	spop (v2sf)  }
0x142: {  	(v2sf) =	vpush v1, $0x7;
	[hbm4b:s4+s3] =	stream.linear.scatter [tilespmem:s14], [sflag:$0x1], $0xA800, $0x38;
	[tilespmem:$0x10C40] =	vst v63  }
0x143: {  	s18 =	rddreg [dreg:$0x6];
	s15 =	spop (v2sf)  }
0x144: {  	s20 =	rddreg [dreg:$0x7];
	s23 =	spop (v2sf)  }
0x145: {  	(v2sf) =	vpush v0, $0x8;
	[hbm4b:s18+s3] =	stream.linear.scatter [tilespmem:s19], [sflag:$0x1], $0xA800, $0x38;
	[tilespmem:$0x10C40] =	vst v63  }
0x146: {  	s21 =	rddreg [dreg:$0x8];
	s25 =	spop (v2sf);
	(v2sf) =	vpush v0, $0x9  }
0x147: {  	[hbm4b:s20+s3] =	stream.linear.scatter [tilespmem:s23], [sflag:$0x1], $0xA800, $0x38;
	[tilespmem:$0x10C40] =	vst v63  }
0x148: {  	s22 =	rddreg [dreg:$0x9]  }
0x149: {  	[hbm4b:s21+s3] =	stream.linear.scatter [tilespmem:s25], [sflag:$0x1], $0xA800, $0x38;
	[tilespmem:$0x10C40] =	vst v63  }
0x14a: {  	s24 =	rddreg [dreg:$0xa];
	s26 =	spop (v2sf)  }
0x14b: {  	(v2sf) =	vpush v0, $0xA;
	[hbm4b:s22+s3] =	stream.linear.scatter [tilespmem:s15], [sflag:$0x1], $0xA800, $0x38;
	[tilespmem:$0x10C40] =	vst v63  }
0x14c: {  	[hbm:s24], [sflag:s9] =	dma.local [spmem:s26], $0x1500  }
0x14d: {  	(v2sf) =	vpush v0, $0xB  }
0x14e: {  	s28 =	rddreg [dreg:$0xb];
	s12 =	spop (v2sf);
	(v2sf) =	vpush v0, $0xC  }
0x14f: {  	[hbm:s28], [sflag:s9] =	dma.local [spmem:s12], $0x1500  }
0x150: {  	(v2sf) =	vpush v1, $0xD  }
0x151: {  	s11 =	rddreg [dreg:$0xc];
	s12 =	spop (v2sf)  }
0x152: {  	[hbm:s11], [sflag:s9] =	dma.local [spmem:s12], $0x1500  }
0x153: {  	(v2sf) =	vpush v1, $0xE  }
0x154: {  	s29 =	spop (v2sf)  }
0x155: {  	s31 =	spop (v2sf);
	(v2sf) =	vpush v1, $0xF  }
0x156: {  	s11 =	rddreg [dreg:$0xd]  }
0x157: {  	[hbm4b:s11+s3] =	stream.linear.scatter [tilespmem:s29], [sflag:$0x1], $0xA800, $0x38;
	[tilespmem:$0x10C40] =	vst v63  }
0x158: {  	s12 =	rddreg [dreg:$0xe]  }
0x159: {  	[hbm4b:s12+s3] =	stream.linear.scatter [tilespmem:s31], [sflag:$0x1], $0xA800, $0x38;
	[tilespmem:$0x10C40] =	vst v63  }
0x15a: {  	s30 =	rddreg [dreg:$0xf];
	s17 =	spop (v2sf)  }
0x15b: {  	[hbm4b:s30+s3] =	stream.linear.scatter [tilespmem:s17], [sflag:$0x1], $0xA800, $0x38;
	[tilespmem:$0x10C40] =	vst v63  }
0x15c: {  	s16 =	rddreg [dreg:$0x10];
	s19 =	spop (v2sf)  }
0x15d: {  	s18 =	rddreg [dreg:$0x11];
	s21 =	spop (v2sf)  }
0x15e: {  	[hbm4b:s16+s3] =	stream.linear.scatter [tilespmem:s19], [sflag:$0x1], $0xA800, $0x38;
	[tilespmem:$0x10C40] =	vst v63  }
0x15f: {  	s20 =	rddreg [dreg:$0x12];
	s22 =	spop (v2sf)  }
0x160: {  	[hbm4b:s18+s3] =	stream.linear.scatter [tilespmem:s21], [sflag:$0x1], $0xA800, $0x38;
	[tilespmem:$0x10C40] =	vst v63  }
0x161: {  	[hbm:s20], [sflag:s9] =	dma.local [spmem:s22], $0x1500  }
0x162: {  	s11 =	rddreg [dreg:$0x13];
	s23 =	spop (v2sf)  }
0x163: {  	[hbm:s11], [sflag:s9] =	dma.local [spmem:s23], $0x1500  }
0x164: {  	s11 =	rddreg [dreg:$0x14];
	s12 =	spop (v2sf)  }
0x165: {  	[hbm:s11], [sflag:s9] =	dma.local [spmem:s12], $0x1500  }
0x166: {  	v62 =	vld [tilespmem:$0xFC10];
	_ =	sdelay $0x4  }
0x167: {  	v0 =	vshll.u32 v62, $0x9  }
0x168: {  	v0 =	vshra.s32 v0, $0x2  }
0x169: {  	(v2sf) =	vpush v0, $0x2  }
0x16a: {  	(v2sf) =	vpush v0, $0x0;
	_ =	sdelay $0x1  }
0x16b: {  	(v2sf) =	vpush v0, $0x1;
	_ =	sdelay $0x1  }
0x16c: {  	(v2sf) =	vpush v0, $0x3;
	_ =	sdelay $0x1  }
0x16d: {  	v63 =	vadd.s32 s2, v0;
	(v2sf) =	vpush v0, $0x4  }
0x16e: {  	v1 =	vshrl.u32 v63, $0x3  }
0x16f: {  	(v2sf) =	vpush v1, $0x5;
	_ =	sdelay $0x3  }
0x170: {  	(v2sf) =	vpush v1, $0x6;
	_ =	sdelay $0x1  }
0x171: {  	s11 =	rddreg [dreg:$0x15];
	s24 =	spop (v2sf)  }
0x172: {  	s12 =	rddreg [dreg:$0x16];
	s26 =	spop (v2sf)  }
0x173: {  	[hbm4b:s11+s3] =	stream.linear.scatter [tilespmem:s26], [sflag:$0x1], $0xA800, $0x38;
	[tilespmem:$0x10C40] =	vst v63  }
0x174: {  	s25 =	rddreg [dreg:$0x17];
	(v2sf) =	vpush v1, $0x7;
	s29 =	spop (v2sf)  }
0x175: {  	[hbm4b:s12+s3] =	stream.linear.scatter [tilespmem:s29], [sflag:$0x1], $0xA800, $0x38;
	[tilespmem:$0x10C40] =	vst v63  }
0x176: {  	s28 =	rddreg [dreg:$0x18];
	s31 =	spop (v2sf)  }
0x177: {  	(v2sf) =	vpush v0, $0x8;
	[hbm4b:s25+s3] =	stream.linear.scatter [tilespmem:s24], [sflag:$0x1], $0xA800, $0x38;
	[tilespmem:$0x10C40] =	vst v63  }
0x178: {  	s30 =	rddreg [dreg:$0x19];
	s17 =	spop (v2sf)  }
0x179: {  	(v2sf) =	vpush v0, $0x9;
	[hbm4b:s28+s3] =	stream.linear.scatter [tilespmem:s31], [sflag:$0x1], $0xA800, $0x38;
	[tilespmem:$0x10C40] =	vst v63  }
0x17a: {  	s16 =	rddreg [dreg:$0x1a];
	s18 =	spop (v2sf)  }
0x17b: {  	(v2sf) =	vpush v0, $0xA;
	[hbm4b:s30+s3] =	stream.linear.scatter [tilespmem:s17], [sflag:$0x1], $0xA800, $0x38;
	[tilespmem:$0x10C40] =	vst v63  }
0x17c: {  	[hbm:s16], [sflag:s9] =	dma.local [spmem:s18], $0x1500  }
0x17d: {  	(v2sf) =	vpush v0, $0xB  }
0x17e: {  	s11 =	rddreg [dreg:$0x1b];
	s19 =	spop (v2sf);
	(v2sf) =	vpush v0, $0xC  }
0x17f: {  	[hbm:s11], [sflag:s9] =	dma.local [spmem:s19], $0x1500  }
0x180: {  	(v2sf) =	vpush v1, $0xD;
	_ =	sdelay $0x2  }
0x181: {  	s11 =	rddreg [dreg:$0x1c];
	s12 =	spop (v2sf)  }
0x182: {  	[hbm:s11], [sflag:s9] =	dma.local [spmem:s12], $0x1500  }
0x183: {  	(v2sf) =	vpush v1, $0xE;
	s11 =	rddreg [dreg:$0x1d]  }
0x184: {  	s12 =	rddreg [dreg:$0x1e];
	s20 =	spop (v2sf)  }
0x185: {  	[hbm4b:s11+s3] =	stream.linear.scatter [tilespmem:s20], [sflag:$0x1], $0xA800, $0x38;
	[tilespmem:$0x10C40] =	vst v63  }
0x186: {  	s21 =	rddreg [dreg:$0x1f];
	s22 =	spop (v2sf)  }
0x187: {  	(v2sf) =	vpush v1, $0xF;
	[hbm4b:s12+s3] =	stream.linear.scatter [tilespmem:s22], [sflag:$0x1], $0xA800, $0x38;
	[tilespmem:$0x10C40] =	vst v63  }
0x188: {  	s23 =	sld [smem:$0x7F9];
	s24 =	spop (v2sf)  }
0x189: {  	[hbm4b:s21+s3] =	stream.linear.scatter [tilespmem:s24], [sflag:$0x1], $0xA800, $0x38;
	[tilespmem:$0x10C40] =	vst v63  }
0x18a: {  	s25 =	sld [smem:$0x7FA];
	s26 =	spop (v2sf)  }
0x18b: {  	s28 =	sld [smem:$0x7FB];
	s29 =	spop (v2sf)  }
0x18c: {  	[hbm4b:s23+s3] =	stream.linear.scatter [tilespmem:s26], [sflag:$0x1], $0xA800, $0x38;
	[tilespmem:$0x10C40] =	vst v63  }
0x18d: {  	s30 =	spop (v2sf)  }
0x18e: {  	[hbm4b:s25+s3] =	stream.linear.scatter [tilespmem:s29], [sflag:$0x1], $0xA800, $0x38;
	[tilespmem:$0x10C40] =	vst v63  }
0x18f: {  	[hbm:s28], [sflag:s9] =	dma.local [spmem:s30], $0x1500  }
0x190: {  	s11 =	sld [smem:$0x7FC];
	_ =	sdelay $0x1  }
0x191: {  	s31 =	spop (v2sf)  }
0x192: {  	[hbm:s11], [sflag:s9] =	dma.local [spmem:s31], $0x1500  }
0x193: {  	s11 =	sld [smem:$0x7FD];
	_ =	sdelay $0x1  }
0x194: {  	s12 =	spop (v2sf)  }
0x195: {  	[hbm:s11], [sflag:s9] =	dma.local [spmem:s12], $0x1500  }
0x196: {  	_ =	swait.ge [sflag:s8], $0xA800  }
0x197: {  	[sflag:s8] =	ssyncset.done $0x0  }
0x198: {  	[sflag:s8] =	ssyncadd.s32 $0xFFFF5800  }
0x199: {  	_ =	swait.ge [sflag:s8], $0xA800  }
0x19a: {  	[sflag:s8] =	ssyncset.done $0x0  }
0x19b: {  	[sflag:s8] =	ssyncadd.s32 $0xFFFF5800  }
0x19c: {  	_ =	swait.ge [sflag:s8], $0xA800  }
0x19d: {  	[sflag:s8] =	ssyncset.done $0x0  }
0x19e: {  	[sflag:s8] =	ssyncadd.s32 $0xFFFF5800  }
0x19f: {  	_ =	swait.ge [sflag:s8], $0xA800  }
0x1a0: {  	[sflag:s8] =	ssyncset.done $0x0  }
0x1a1: {  	[sflag:s8] =	ssyncadd.s32 $0xFFFF5800  }
0x1a2: {  	_ =	swait.ge [sflag:s8], $0xA800  }
0x1a3: {  	[sflag:s8] =	ssyncset.done $0x0  }
0x1a4: {  	[sflag:s8] =	ssyncadd.s32 $0xFFFF5800  }
0x1a5: {  	_ =	swait.ge [sflag:s8], $0x1500  }
0x1a6: {  	[sflag:s8] =	ssyncset.done $0x0  }
0x1a7: {  	[sflag:s8] =	ssyncadd.s32 $0xFFFFEB00  }
0x1a8: {  	_ =	swait.ge [sflag:s8], $0x1500  }
0x1a9: {  	[sflag:s8] =	ssyncset.done $0x0  }
0x1aa: {  	[sflag:s8] =	ssyncadd.s32 $0xFFFFEB00  }
0x1ab: {  	_ =	swait.ge [sflag:s8], $0x1500  }
0x1ac: {  	[sflag:s8] =	ssyncset.done $0x0  }
0x1ad: {  	[sflag:s8] =	ssyncadd.s32 $0xFFFFEB00  }
0x1ae: {  	_ =	swait.ge [sflag:s8], $0xA800  }
0x1af: {  	[sflag:s8] =	ssyncset.done $0x0  }
0x1b0: {  	[sflag:s8] =	ssyncadd.s32 $0xFFFF5800  }
0x1b1: {  	_ =	swait.ge [sflag:s8], $0xA800  }
0x1b2: {  	[sflag:s8] =	ssyncset.done $0x0  }
0x1b3: {  	[sflag:s8] =	ssyncadd.s32 $0xFFFF5800  }
0x1b4: {  	_ =	swait.ge [sflag:s8], $0xA800  }
0x1b5: {  	[sflag:s8] =	ssyncset.done $0x0  }
0x1b6: {  	[sflag:s8] =	ssyncadd.s32 $0xFFFF5800  }
0x1b7: {  	_ =	swait.ge [sflag:s8], $0xA800  }
0x1b8: {  	[sflag:s8] =	ssyncset.done $0x0  }
0x1b9: {  	[sflag:s8] =	ssyncadd.s32 $0xFFFF5800  }
0x1ba: {  	_ =	swait.ge [sflag:s8], $0xA800  }
0x1bb: {  	[sflag:s8] =	ssyncset.done $0x0  }
0x1bc: {  	[sflag:s8] =	ssyncadd.s32 $0xFFFF5800  }
0x1bd: {  	_ =	swait.ge [sflag:s8], $0x1500  }
0x1be: {  	[sflag:s8] =	ssyncset.done $0x0  }
0x1bf: {  	[sflag:s8] =	ssyncadd.s32 $0xFFFFEB00  }
0x1c0: {  	_ =	swait.ge [sflag:s8], $0x1500  }
0x1c1: {  	[sflag:s8] =	ssyncset.done $0x0  }
0x1c2: {  	[sflag:s8] =	ssyncadd.s32 $0xFFFFEB00  }
0x1c3: {  	_ =	swait.ge [sflag:s8], $0x1500  }
0x1c4: {  	[sflag:s8] =	ssyncset.done $0x0  }
0x1c5: {  	[sflag:s8] =	ssyncadd.s32 $0xFFFFEB00  }
0x1c6: {  	_ =	swait.ge [sflag:s8], $0xA800  }
0x1c7: {  	[sflag:s8] =	ssyncset.done $0x0  }
0x1c8: {  	[sflag:s8] =	ssyncadd.s32 $0xFFFF5800  }
0x1c9: {  	_ =	swait.ge [sflag:s8], $0xA800  }
0x1ca: {  	[sflag:s8] =	ssyncset.done $0x0  }
0x1cb: {  	[sflag:s8] =	ssyncadd.s32 $0xFFFF5800  }
0x1cc: {  	_ =	swait.ge [sflag:s8], $0xA800  }
0x1cd: {  	[sflag:s8] =	ssyncset.done $0x0  }
0x1ce: {  	[sflag:s8] =	ssyncadd.s32 $0xFFFF5800  }
0x1cf: {  	_ =	swait.ge [sflag:s8], $0xA800  }
0x1d0: {  	[sflag:s8] =	ssyncset.done $0x0  }
0x1d1: {  	[sflag:s8] =	ssyncadd.s32 $0xFFFF5800  }
0x1d2: {  	_ =	swait.ge [sflag:s8], $0xA800  }
0x1d3: {  	[sflag:s8] =	ssyncset.done $0x0  }
0x1d4: {  	[sflag:s8] =	ssyncadd.s32 $0xFFFF5800  }
0x1d5: {  	_ =	swait.ge [sflag:s8], $0x1500  }
0x1d6: {  	[sflag:s8] =	ssyncset.done $0x0  }
0x1d7: {  	[sflag:s8] =	ssyncadd.s32 $0xFFFFEB00  }
0x1d8: {  	_ =	swait.ge [sflag:s8], $0x1500  }
0x1d9: {  	[sflag:s8] =	ssyncset.done $0x0  }
0x1da: {  	[sflag:s8] =	ssyncadd.s32 $0xFFFFEB00  }
0x1db: {  	_ =	swait.ge [sflag:s8], $0x1500  }
0x1dc: {  	[sflag:s8] =	ssyncset.done $0x0  }
0x1dd: {  	[sflag:s8] =	ssyncadd.s32 $0xFFFFEB00  }
0x1de: {  	_ =	swait.ge [sflag:s8], $0xA800  }
0x1df: {  	[sflag:s8] =	ssyncset.done $0x0  }
0x1e0: {  	[sflag:s8] =	ssyncadd.s32 $0xFFFF5800  }
0x1e1: {  	_ =	swait.ge [sflag:s8], $0xA800  }
0x1e2: {  	[sflag:s8] =	ssyncset.done $0x0  }
0x1e3: {  	[sflag:s8] =	ssyncadd.s32 $0xFFFF5800  }
0x1e4: {  	_ =	swait.ge [sflag:s8], $0xA800  }
0x1e5: {  	[sflag:s8] =	ssyncset.done $0x0  }
0x1e6: {  	[sflag:s8] =	ssyncadd.s32 $0xFFFF5800  }
0x1e7: {  	_ =	swait.ge [sflag:s8], $0xA800  }
0x1e8: {  	[sflag:s8] =	ssyncset.done $0x0  }
0x1e9: {  	[sflag:s8] =	ssyncadd.s32 $0xFFFF5800  }
0x1ea: {  	_ =	swait.ge [sflag:s8], $0xA800  }
0x1eb: {  	[sflag:s8] =	ssyncset.done $0x0  }
0x1ec: {  	s10 =	sadd.s32 $0xFFFFFFFF, s10;
	[sflag:s8] =	ssyncadd.s32 $0xFFFF5800  }
0x1ed: {  	p1 =	sne.s32 s10, $0x0;
	_ =	swait.ge [sflag:s8], $0x1500  }
.Ltmp1:
0x1ee: {  	[sflag:s8] =	ssyncset.done $0x0;
	(pc) =	sbr.rel @p1 .LBB2_1-.Ltmp1, $4  }
0x1ef: {  	[sflag:s8] =	ssyncadd.s32 $0xFFFFEB00  }
0x1f0: {  	_ =	swait.ge [sflag:s8], $0x1500  }
0x1f1: {  	[sflag:s8] =	ssyncset.done $0x0  }
0x1f2: {  	[sflag:s8] =	ssyncadd.s32 $0xFFFFEB00  }
.LBB2_2:
0x1f3: {  	_ =	swait.ge [sflag:s8], $0x1500  }
0x1f4: {  	[sflag:s8] =	ssyncset.done $0x0  }
0x1f5: {  	[sflag:s8] =	ssyncadd.s32 $0xFFFFEB00  }
0x1f6: {  	_ =	sfence.sel $0x180000  }
0x1f7: {  	[bflag:$0x0] =	sbarrier.arrive $0xFFFF  }
0x1f8: {  	_ =	strace $0x90000047  }
0x1f9: {  	s0 =	sadd.s32 @!p0 $0x100000, s0;
	[bflag:$0x2] =	sbarrier.arrive $0xFFFF  }
0x1fa: {  	[sflag:s0] =	ssyncadd.tile.s32 @!p0 $0x1;
	_ =	shalt  }
.Lfunc_end2:
_tile_overlayer_lowered:
.L_overlay_start_2:
0x1fb: {  	(tag) =	ssettag $0x2  }
0x1fc: {  	s0 =	rddreg [dreg:$0x0];
	s2 =	stileid.u32  }
0x1fd: {  	s1 =	rddreg [dreg:$0x1];
	p0 =	sne.s32 s2, $0x0  }
0x1fe: {  	s3 =	rddreg [dreg:$0x2];
	[bflag:$0x3] =	sbarrier.arrive $0xFFFF;
	s2 =	simm.s32 @!p0 $0x1C02  }
0x1ff: {  	[timem:s3], [sflag:s2] =	dma.local @!p0 [hbm:s0], s1  }
0x200: {  	s0 =	simm.s32 @!p0 $0x2  }
0x201: {  	_ =	swait.ge @!p0 [sflag:s0], s1  }
0x202: {  	s1 =	ssub.s32 @!p0 $0x0, s1;
	[sflag:s0] =	ssyncset.done @!p0 $0x0  }
0x203: {  	[sflag:s0] =	ssyncadd.s32 @!p0 s1  }
0x204: {  	[bflag:$0x3] =	sbarrier.arrive $0xFFFF  }
0x205: {  	_ =	shalt  }

</sc_bundles>
